<compile_context>
chip_gen: v7x
topology: tpu7x:2x2x1
jax: 0.10.2.dev20260603
libtpu: 0.0.44.dev20260713+nightly
codegen_flags: <defaults>
</compile_context>

<pallas_src>
import jax
import jax.numpy as jnp
from jax import lax
from jax.experimental import pallas as pl
from jax.experimental.pallas import tpu as pltpu
from jax.experimental.pallas import tpu_sc as plsc

_N = 10000
_E = 160000
_D = 256
_DH = 512
_EPS = 1e-7

_NB = 4
_BLK = 128
_NS = 16
_CHUNK = 128
_GRP = 8
_NGRP = 10
_NBUF = 2
_CPT = _GRP * _NGRP
_EPT = _CPT * _CHUNK
_EPAD = _NS * _EPT
_TRASH = _N
_ACC_ROWS = 10240
_ZROWS = _ACC_ROWS // _NS
_FROWS = _ACC_ROWS // _NS
_R = 2000


def _gtab_body(x_ref, o_ref):
    f = jnp.maximum(x_ref[...], 0.0) + _EPS
    e = jnp.exp(f)
    fe = f * e
    o_ref[0] = e[:, :_BLK]
    o_ref[1] = e[:, _BLK:]
    o_ref[2] = fe[:, :_BLK]
    o_ref[3] = fe[:, _BLK:]


def _gtab(x):
    return pl.pallas_call(
        _gtab_body,
        grid=(_N // _R,),
        in_specs=[pl.BlockSpec((_R, _D), lambda i: (i, 0))],
        out_specs=pl.BlockSpec((_NB, _R, _BLK), lambda i: (0, i, 0)),
        out_shape=jax.ShapeDtypeStruct((_NB, _N, _BLK), jnp.float32),
    )(x)


def _seg_body(g_hbm, src_hbm, dst_hbm, zeros_hbm, out_hbm,
              srcv, dstv, rows_a, rows_b, acc_sh,
              sem_a, sem_b):
    c = lax.axis_index("c")
    s = lax.axis_index("s")
    rows = (rows_a, rows_b)
    sems = (sem_a, sem_b)
    for i in range(2):
        b = c * 2 + i
        pltpu.sync_copy(zeros_hbm, acc_sh.at[pl.ds(s * _ZROWS, _ZROWS)])
        plsc.subcore_barrier()

        def _group(g, carry):
            pltpu.sync_copy(src_hbm.at[b, s, g], srcv)
            pltpu.sync_copy(dst_hbm.at[s, g], dstv)
            for j in range(_NBUF):
                pltpu.async_copy(g_hbm.at[srcv.at[j]], rows[j], sems[j])
            for j in range(_GRP):
                k = j % _NBUF
                pltpu.make_async_copy(
                    g_hbm.at[srcv.at[0]], rows[k], sems[k]).wait()
                pltpu.sync_copy(rows[k], acc_sh.at[dstv.at[j]], add=True)
                if j + _NBUF < _GRP:
                    pltpu.async_copy(
                        g_hbm.at[srcv.at[j + _NBUF]], rows[k], sems[k])
            return carry

        lax.fori_loop(0, _NGRP, _group, 0)
        plsc.subcore_barrier()
        pltpu.sync_copy(acc_sh.at[pl.ds(s * _FROWS, _FROWS)],
                        out_hbm.at[b, pl.ds(s * _FROWS, _FROWS)])
        plsc.subcore_barrier()


def _seg_sum(g2d, src_all, dst_t, zeros):
    mesh = plsc.VectorSubcoreMesh(core_axis_name="c", subcore_axis_name="s")
    f = pl.kernel(
        _seg_body,
        out_type=jax.ShapeDtypeStruct((_NB, _ACC_ROWS, _BLK), jnp.float32),
        mesh=mesh,
        scratch_types=[
            pltpu.VMEM((_GRP, _CHUNK), jnp.int32),
            pltpu.VMEM((_GRP, _CHUNK), jnp.int32),
            pltpu.VMEM((_CHUNK, _BLK), jnp.float32),
            pltpu.VMEM((_CHUNK, _BLK), jnp.float32),
            pltpu.VMEM_SHARED((_ACC_ROWS, _BLK), jnp.float32),
            pltpu.SemaphoreType.DMA,
            pltpu.SemaphoreType.DMA,
        ],
    )
    return f(g2d, src_all, dst_t, zeros)


def _mlp1_body(s_ref, x_ref, w1_ref, b1_ref, h1_ref, st_ref):
    sb = s_ref[...]
    s1 = jnp.concatenate([sb[0], sb[1]], axis=1)
    s2 = jnp.concatenate([sb[2], sb[3]], axis=1)
    aggr = s2 / (s1 + 1e-16)
    h = aggr + x_ref[...]
    h1 = jnp.dot(h, w1_ref[...], preferred_element_type=jnp.float32) + b1_ref[...]
    h1_ref[...] = h1

    @pl.when(pl.program_id(0) == 0)
    def _():
        st_ref[...] = jnp.zeros_like(st_ref)

    st_ref[0:1] += jnp.sum(h1, axis=0, keepdims=True)
    st_ref[1:2] += jnp.sum(h1 * h1, axis=0, keepdims=True)


def _mlp1(s, x, w1, b1):
    return pl.pallas_call(
        _mlp1_body,
        grid=(_N // _R,),
        in_specs=[
            pl.BlockSpec((_NB, _R, _BLK), lambda i: (0, i, 0)),
            pl.BlockSpec((_R, _D), lambda i: (i, 0)),
            pl.BlockSpec((_D, _DH), lambda i: (0, 0)),
            pl.BlockSpec((1, _DH), lambda i: (0, 0)),
        ],
        out_specs=[
            pl.BlockSpec((_R, _DH), lambda i: (i, 0)),
            pl.BlockSpec((8, _DH), lambda i: (0, 0)),
        ],
        out_shape=[
            jax.ShapeDtypeStruct((_N, _DH), jnp.float32),
            jax.ShapeDtypeStruct((8, _DH), jnp.float32),
        ],
    )(s, x, w1, b1)


def _mlp2_body(h1_ref, st_ref, gam_ref, bet_ref, w2_ref, b2_ref, x_ref, o_ref):
    st = st_ref[...]
    mean = st[0:1] / _N
    var = st[1:2] / _N - mean * mean
    rstd = lax.rsqrt(var + 1e-5)
    t = (h1_ref[...] - mean) * (rstd * gam_ref[...]) + bet_ref[...]
    t = jnp.maximum(t, 0.0)
    y = jnp.dot(t, w2_ref[...], preferred_element_type=jnp.float32) + b2_ref[...]
    o_ref[...] = x_ref[...] + jnp.maximum(y, 0.0)


def _mlp2(h1, st, gamma, beta, w2, b2, x):
    return pl.pallas_call(
        _mlp2_body,
        grid=(_N // _R,),
        in_specs=[
            pl.BlockSpec((_R, _DH), lambda i: (i, 0)),
            pl.BlockSpec((8, _DH), lambda i: (0, 0)),
            pl.BlockSpec((1, _DH), lambda i: (0, 0)),
            pl.BlockSpec((1, _DH), lambda i: (0, 0)),
            pl.BlockSpec((_DH, _D), lambda i: (0, 0)),
            pl.BlockSpec((1, _D), lambda i: (0, 0)),
            pl.BlockSpec((_R, _D), lambda i: (i, 0)),
        ],
        out_specs=pl.BlockSpec((_R, _D), lambda i: (i, 0)),
        out_shape=jax.ShapeDtypeStruct((_N, _D), jnp.float32),
    )(h1, st, gamma, beta, w2, b2, x)


def kernel(x, edge_index, W1, b1, gamma, beta, W2, b2):
    src = edge_index[0].astype(jnp.int32)
    dst = edge_index[1].astype(jnp.int32)

    npad = _EPAD - _E
    pad_src = jnp.arange(npad, dtype=jnp.int32) % _N
    src_p = jnp.concatenate([src, pad_src])
    pad_dst = _TRASH + jnp.arange(npad, dtype=jnp.int32) % (_ACC_ROWS - _N)
    dst_p = jnp.concatenate([dst, pad_dst])
    src_t = src_p.reshape(_NS, _NGRP, _GRP, _CHUNK)
    dst_t = dst_p.reshape(_NS, _NGRP, _GRP, _CHUNK)
    src_all = src_t[None] + (jnp.arange(_NB, dtype=jnp.int32) * _N)[
        :, None, None, None, None]
    zeros = jnp.zeros((_ZROWS, _BLK), jnp.float32)

    g = _gtab(x)
    g2d = g.reshape(_NB * _N, _BLK)
    s = _seg_sum(g2d, src_all, dst_t, zeros)
    h1, st = _mlp1(s, x, W1, b1.reshape(1, _DH))
    return _mlp2(h1, st, gamma.reshape(1, _DH), beta.reshape(1, _DH),
                 W2, b2.reshape(1, _D), x)

# --- scband reference (transcript-rebuilt; emitter-appended) ---
"""Pipeline reference for scband-genconv-31138512896571 (READ-ONLY COPY).

The authoritative reference and input builder live on the scoring server;
editing this copy changes nothing except your own understanding.
"""

import jax, jax.numpy as jnp
import numpy as np

N_NODES = 10000
N_EDGES = 160000
D = 256
D_HID = 512  # expansion=2
EPS = 1e-7


def setup_inputs(seed: int = 0) -> dict:
    key = jax.random.key(seed)
    ks = jax.random.split(key, 8)
    x = jax.random.normal(ks[0], (N_NODES, D), dtype=jnp.float32)
    edge_index = jax.random.randint(ks[1], (2, N_EDGES), 0, N_NODES, dtype=jnp.int64)
    W1 = jax.random.normal(ks[2], (D, D_HID), dtype=jnp.float32) * (1.0 / np.sqrt(D))
    b1 = jnp.zeros((D_HID,), dtype=jnp.float32)
    gamma = jnp.ones((D_HID,), dtype=jnp.float32)
    beta = jnp.zeros((D_HID,), dtype=jnp.float32)
    W2 = jax.random.normal(ks[3], (D_HID, D), dtype=jnp.float32) * (1.0 / np.sqrt(D_HID))
    b2 = jnp.zeros((D,), dtype=jnp.float32)
    return {"x": x, "edge_index": edge_index, "W1": W1, "b1": b1,
            "gamma": gamma, "beta": beta, "W2": W2, "b2": b2}


def _segment_softmax(msg, index, num_segments):
    # elementwise (per-channel) softmax over edges grouped by dst node, t=1.0
    m = jax.ops.segment_max(msg, index, num_segments=num_segments)
    m = jnp.where(jnp.isfinite(m), m, 0.0)
    ex = jnp.exp(msg - m[index])
    denom = jax.ops.segment_sum(ex, index, num_segments=num_segments)
    return ex / (denom[index] + 1e-16)


def reference(x, edge_index, W1, b1, gamma, beta, W2, b2):
    src = edge_index[0]
    dst = edge_index[1]
    # GENConv message: relu(x_j) + eps  (no edge_attr)
    msg = jnp.maximum(x[src], 0.0) + EPS
    # softmax aggregation (aggr='softmax', t=1.0)
    alpha = _segment_softmax(msg, dst, N_NODES)
    aggr = jax.ops.segment_sum(msg * alpha, dst, num_segments=N_NODES)
    # residual inside GENConv: out = aggr + x_dst
    h = aggr + x
    # MLP: Linear(d, 2d) -> BatchNorm (training-mode stats) -> ReLU -> Linear(2d, d)
    h = h @ W1 + b1
    mean = jnp.mean(h, axis=0)
    var = jnp.var(h, axis=0)
    h = (h - mean) / jnp.sqrt(var + 1e-5) * gamma + beta
    h = jnp.maximum(h, 0.0)
    h = h @ W2 + b2
    # outer module: x + relu(genconv(x, edge_index))
    return x + jnp.maximum(h, 0.0)

if __name__ == "__main__":
    import jax
    _d = setup_inputs()
    print(jax.jit(kernel)(*tuple(_d.values())))

</pallas_src>

<mosaic_0001>
#map = affine_map<(d0, d1) -> (0, 0)>
#map1 = affine_map<(d0, d1) -> (0, 0, 0, 0, 0)>
#map2 = affine_map<(d0, d1) -> (0, 0, 0, 0)>
#map3 = affine_map<(d0, d1) -> (0, 0, 0)>
module attributes {stable_mosaic.version = 14 : i64} {
  func.func @_seg_body(%arg0: i32, %arg1: i32, %arg2: memref<40000x128xf32, #tpu.memory_space<hbm>>, %arg3: memref<4x16x10x8x128xi32, #tpu.memory_space<hbm>>, %arg4: memref<16x10x8x128xi32, #tpu.memory_space<hbm>>, %arg5: memref<640x128xf32, #tpu.memory_space<hbm>>, %arg6: memref<4x10240x128xf32, #tpu.memory_space<hbm>>, %arg7: memref<8x128xi32, #tpu.memory_space<vmem>>, %arg8: memref<8x128xi32, #tpu.memory_space<vmem>>, %arg9: memref<128x128xf32, #tpu.memory_space<vmem>>, %arg10: memref<128x128xf32, #tpu.memory_space<vmem>>, %arg11: memref<10240x128xf32, #tpu.memory_space<vmem_shared>>, %arg12: memref<!tpu.dma_semaphore, #tpu.memory_space<semaphore_mem>>, %arg13: memref<!tpu.dma_semaphore, #tpu.memory_space<semaphore_mem>>) attributes {dimension_semantics = [#tpu.dimension_semantics<core_parallel>, #tpu.dimension_semantics<subcore_parallel>], iteration_bounds = array<i64: 2, 16>, scalar_prefetch = 0 : i64, scratch_operands = 7 : i64, tpu.core_type = #tpu.core_type<sc_vector_subcore>, window_params = [{transform_indices = #map}, {transform_indices = #map1}, {transform_indices = #map2}, {transform_indices = #map}, {transform_indices = #map3}]} {
    %mul3A = arith.constant 2 : i32
    %mul3A_0 = arith.muli %arg0, %mul3A : i32
    %add3A = arith.constant 0 : i32
    %add3A_1 = arith.addi %mul3A_0, %add3A : i32
    %mul3A_2 = arith.constant 640 : i32
    %mul3A_3 = arith.muli %arg1, %mul3A_2 : i32
    "tpu.region"() ({
      %run_scoped3A = tpu.sem_alloc : memref<!tpu.dma_semaphore, #tpu.memory_space<semaphore_mem>>
      %dma_start3A = arith.constant 0 : i32
      %dma_start3A_34 = tpu.memref_slice %arg11[%mul3A_3, %dma_start3A] : memref<10240x128xf32, #tpu.memory_space<vmem_shared>> -> memref<640x128xf32, #tpu.memory_space<vmem_shared>>
      tpu.enqueue_dma source(%arg5 : memref<640x128xf32, #tpu.memory_space<hbm>>) target(%dma_start3A_34 : memref<640x128xf32, #tpu.memory_space<vmem_shared>>) target_semaphore(%run_scoped3A : memref<!tpu.dma_semaphore, #tpu.memory_space<semaphore_mem>>)
      %dma_wait3A = arith.constant 0 : i32
      %dma_wait3A_35 = tpu.memref_slice %arg11[%mul3A_3, %dma_wait3A] : memref<10240x128xf32, #tpu.memory_space<vmem_shared>> -> memref<640x128xf32, #tpu.memory_space<vmem_shared>>
      tpu.wait_dma2 semaphore(%run_scoped3A : memref<!tpu.dma_semaphore, #tpu.memory_space<semaphore_mem>>) src(%arg5 : memref<640x128xf32, #tpu.memory_space<hbm>>) dst(%dma_wait3A_35 : memref<640x128xf32, #tpu.memory_space<vmem_shared>>)
      tpu.yield
    }) : () -> ()
    %barrier3A = arith.constant 0 : index
    tpu.barrier barrier_id(%barrier3A)
    %scan3A = arith.constant 0 : i32
    %scan3A_4 = arith.constant 0 : i32
    %scan3A_5 = arith.constant 10 : i32
    %scan3A_6 = arith.addi %scan3A_4, %scan3A_5 : i32
    %scan3A_7 = arith.constant 1 : i32
    scf.for %scan3A_34 = %scan3A_4 to %scan3A_6 step %scan3A_7  : i32 {
      "tpu.region"() ({
        %run_scoped3A_152 = tpu.sem_alloc : memref<!tpu.dma_semaphore, #tpu.memory_space<semaphore_mem>>
        %dma_start3A_153 = arith.constant 0 : i32
        %dma_start3A_154 = arith.constant 0 : i32
        %dma_start3A_155 = tpu.memref_slice %arg3[%add3A_1, %arg1, %scan3A_34, %dma_start3A_153, %dma_start3A_154] : memref<4x16x10x8x128xi32, #tpu.memory_space<hbm>> -> memref<1x1x1x8x128xi32, #tpu.memory_space<hbm>>
        %dma_start3A_156 = tpu.memref_squeeze %dma_start3A_155 : memref<1x1x1x8x128xi32, #tpu.memory_space<hbm>> -> memref<8x128xi32, #tpu.memory_space<hbm>>
        %dma_start3A_157 = arith.constant 0 : i32
        %dma_start3A_158 = arith.constant 0 : i32
        %dma_start3A_159 = tpu.memref_slice %arg3[%add3A_1, %arg1, %scan3A_34, %dma_start3A_157, %dma_start3A_158] : memref<4x16x10x8x128xi32, #tpu.memory_space<hbm>> -> memref<1x1x1x8x128xi32, #tpu.memory_space<hbm>>
        %dma_start3A_160 = tpu.memref_squeeze %dma_start3A_159 : memref<1x1x1x8x128xi32, #tpu.memory_space<hbm>> -> memref<8x128xi32, #tpu.memory_space<hbm>>
        tpu.enqueue_dma source(%dma_start3A_160 : memref<8x128xi32, #tpu.memory_space<hbm>>) target(%arg7 : memref<8x128xi32, #tpu.memory_space<vmem>>) target_semaphore(%run_scoped3A_152 : memref<!tpu.dma_semaphore, #tpu.memory_space<semaphore_mem>>)
        %dma_wait3A_161 = arith.constant 0 : i32
        %dma_wait3A_162 = arith.constant 0 : i32
        %dma_wait3A_163 = tpu.memref_slice %arg3[%add3A_1, %arg1, %scan3A_34, %dma_wait3A_161, %dma_wait3A_162] : memref<4x16x10x8x128xi32, #tpu.memory_space<hbm>> -> memref<1x1x1x8x128xi32, #tpu.memory_space<hbm>>
        %dma_wait3A_164 = tpu.memref_squeeze %dma_wait3A_163 : memref<1x1x1x8x128xi32, #tpu.memory_space<hbm>> -> memref<8x128xi32, #tpu.memory_space<hbm>>
        %dma_wait3A_165 = arith.constant 0 : i32
        %dma_wait3A_166 = arith.constant 0 : i32
        %dma_wait3A_167 = tpu.memref_slice %arg3[%add3A_1, %arg1, %scan3A_34, %dma_wait3A_165, %dma_wait3A_166] : memref<4x16x10x8x128xi32, #tpu.memory_space<hbm>> -> memref<1x1x1x8x128xi32, #tpu.memory_space<hbm>>
        %dma_wait3A_168 = tpu.memref_squeeze %dma_wait3A_167 : memref<1x1x1x8x128xi32, #tpu.memory_space<hbm>> -> memref<8x128xi32, #tpu.memory_space<hbm>>
        tpu.wait_dma2 semaphore(%run_scoped3A_152 : memref<!tpu.dma_semaphore, #tpu.memory_space<semaphore_mem>>) src(%dma_wait3A_168 : memref<8x128xi32, #tpu.memory_space<hbm>>) dst(%arg7 : memref<8x128xi32, #tpu.memory_space<vmem>>)
        tpu.yield
      }) : () -> ()
      "tpu.region"() ({
        %run_scoped3A_152 = tpu.sem_alloc : memref<!tpu.dma_semaphore, #tpu.memory_space<semaphore_mem>>
        %dma_start3A_153 = arith.constant 0 : i32
        %dma_start3A_154 = arith.constant 0 : i32
        %dma_start3A_155 = tpu.memref_slice %arg4[%arg1, %scan3A_34, %dma_start3A_153, %dma_start3A_154] : memref<16x10x8x128xi32, #tpu.memory_space<hbm>> -> memref<1x1x8x128xi32, #tpu.memory_space<hbm>>
        %dma_start3A_156 = tpu.memref_squeeze %dma_start3A_155 : memref<1x1x8x128xi32, #tpu.memory_space<hbm>> -> memref<8x128xi32, #tpu.memory_space<hbm>>
        %dma_start3A_157 = arith.constant 0 : i32
        %dma_start3A_158 = arith.constant 0 : i32
        %dma_start3A_159 = tpu.memref_slice %arg4[%arg1, %scan3A_34, %dma_start3A_157, %dma_start3A_158] : memref<16x10x8x128xi32, #tpu.memory_space<hbm>> -> memref<1x1x8x128xi32, #tpu.memory_space<hbm>>
        %dma_start3A_160 = tpu.memref_squeeze %dma_start3A_159 : memref<1x1x8x128xi32, #tpu.memory_space<hbm>> -> memref<8x128xi32, #tpu.memory_space<hbm>>
        tpu.enqueue_dma source(%dma_start3A_160 : memref<8x128xi32, #tpu.memory_space<hbm>>) target(%arg8 : memref<8x128xi32, #tpu.memory_space<vmem>>) target_semaphore(%run_scoped3A_152 : memref<!tpu.dma_semaphore, #tpu.memory_space<semaphore_mem>>)
        %dma_wait3A_161 = arith.constant 0 : i32
        %dma_wait3A_162 = arith.constant 0 : i32
        %dma_wait3A_163 = tpu.memref_slice %arg4[%arg1, %scan3A_34, %dma_wait3A_161, %dma_wait3A_162] : memref<16x10x8x128xi32, #tpu.memory_space<hbm>> -> memref<1x1x8x128xi32, #tpu.memory_space<hbm>>
        %dma_wait3A_164 = tpu.memref_squeeze %dma_wait3A_163 : memref<1x1x8x128xi32, #tpu.memory_space<hbm>> -> memref<8x128xi32, #tpu.memory_space<hbm>>
        %dma_wait3A_165 = arith.constant 0 : i32
        %dma_wait3A_166 = arith.constant 0 : i32
        %dma_wait3A_167 = tpu.memref_slice %arg4[%arg1, %scan3A_34, %dma_wait3A_165, %dma_wait3A_166] : memref<16x10x8x128xi32, #tpu.memory_space<hbm>> -> memref<1x1x8x128xi32, #tpu.memory_space<hbm>>
        %dma_wait3A_168 = tpu.memref_squeeze %dma_wait3A_167 : memref<1x1x8x128xi32, #tpu.memory_space<hbm>> -> memref<8x128xi32, #tpu.memory_space<hbm>>
        tpu.wait_dma2 semaphore(%run_scoped3A_152 : memref<!tpu.dma_semaphore, #tpu.memory_space<semaphore_mem>>) src(%dma_wait3A_168 : memref<8x128xi32, #tpu.memory_space<hbm>>) dst(%arg8 : memref<8x128xi32, #tpu.memory_space<vmem>>)
        tpu.yield
      }) : () -> ()
      %dma_start3A = arith.constant 0 : i32
      %dma_start3A_35 = arith.constant 0 : i32
      %dma_start3A_36 = tpu.memref_slice %arg7[%dma_start3A, %dma_start3A_35] : memref<8x128xi32, #tpu.memory_space<vmem>> -> memref<1x128xi32, #tpu.memory_space<vmem>>
      %dma_start3A_37 = tpu.memref_squeeze %dma_start3A_36 : memref<1x128xi32, #tpu.memory_space<vmem>> -> memref<128xi32, #tpu.memory_space<vmem>>
      %dma_start3A_38 = arith.constant 0 : i32
      %dma_start3A_39 = arith.constant 0 : i32
      %dma_start3A_40 = tpu.memref_slice %arg2[%dma_start3A_38, %dma_start3A_39] : memref<40000x128xf32, #tpu.memory_space<hbm>> -> memref<40000x128xf32, #tpu.memory_space<hbm>>
      tpu.enqueue_indirect_dma source(%dma_start3A_40 : memref<40000x128xf32, #tpu.memory_space<hbm>>) target(%arg9 : memref<128x128xf32, #tpu.memory_space<vmem>>) offsets(%dma_start3A_37 : memref<128xi32, #tpu.memory_space<vmem>>) semaphore(%arg12 : memref<!tpu.dma_semaphore, #tpu.memory_space<semaphore_mem>>)
      %dma_start3A_41 = arith.constant 1 : i32
      %dma_start3A_42 = arith.constant 0 : i32
      %dma_start3A_43 = tpu.memref_slice %arg7[%dma_start3A_41, %dma_start3A_42] : memref<8x128xi32, #tpu.memory_space<vmem>> -> memref<1x128xi32, #tpu.memory_space<vmem>>
      %dma_start3A_44 = tpu.memref_squeeze %dma_start3A_43 : memref<1x128xi32, #tpu.memory_space<vmem>> -> memref<128xi32, #tpu.memory_space<vmem>>
      %dma_start3A_45 = arith.constant 0 : i32
      %dma_start3A_46 = arith.constant 0 : i32
      %dma_start3A_47 = tpu.memref_slice %arg2[%dma_start3A_45, %dma_start3A_46] : memref<40000x128xf32, #tpu.memory_space<hbm>> -> memref<40000x128xf32, #tpu.memory_space<hbm>>
      tpu.enqueue_indirect_dma source(%dma_start3A_47 : memref<40000x128xf32, #tpu.memory_space<hbm>>) target(%arg10 : memref<128x128xf32, #tpu.memory_space<vmem>>) offsets(%dma_start3A_44 : memref<128xi32, #tpu.memory_space<vmem>>) semaphore(%arg13 : memref<!tpu.dma_semaphore, #tpu.memory_space<semaphore_mem>>)
      %dma_wait3A = arith.constant 0 : i32
      %dma_wait3A_48 = arith.constant 0 : i32
      %dma_wait3A_49 = tpu.memref_slice %arg7[%dma_wait3A, %dma_wait3A_48] : memref<8x128xi32, #tpu.memory_space<vmem>> -> memref<1x128xi32, #tpu.memory_space<vmem>>
      %dma_wait3A_50 = tpu.memref_squeeze %dma_wait3A_49 : memref<1x128xi32, #tpu.memory_space<vmem>> -> memref<128xi32, #tpu.memory_space<vmem>>
      %dma_wait3A_51 = arith.constant 0 : i32
      %dma_wait3A_52 = arith.constant 0 : i32
      %dma_wait3A_53 = tpu.memref_slice %arg2[%dma_wait3A_51, %dma_wait3A_52] : memref<40000x128xf32, #tpu.memory_space<hbm>> -> memref<40000x128xf32, #tpu.memory_space<hbm>>
      tpu.wait_indirect_dma semaphore(%arg12 : memref<!tpu.dma_semaphore, #tpu.memory_space<semaphore_mem>>) src(%dma_wait3A_53 : memref<40000x128xf32, #tpu.memory_space<hbm>>) dst(%arg9 : memref<128x128xf32, #tpu.memory_space<vmem>>)
      %run_scoped3A = arith.constant 0 : i32
      "tpu.region"() ({
        %run_scoped3A_152 = tpu.sem_alloc : memref<!tpu.dma_semaphore, #tpu.memory_space<semaphore_mem>>
        %dma_start3A_153 = arith.constant 0 : i32
        %dma_start3A_154 = tpu.memref_slice %arg8[%run_scoped3A, %dma_start3A_153] : memref<8x128xi32, #tpu.memory_space<vmem>> -> memref<1x128xi32, #tpu.memory_space<vmem>>
        %dma_start3A_155 = tpu.memref_squeeze %dma_start3A_154 : memref<1x128xi32, #tpu.memory_space<vmem>> -> memref<128xi32, #tpu.memory_space<vmem>>
        %dma_start3A_156 = arith.constant 0 : i32
        %dma_start3A_157 = arith.constant 0 : i32
        %dma_start3A_158 = tpu.memref_slice %arg11[%dma_start3A_156, %dma_start3A_157] : memref<10240x128xf32, #tpu.memory_space<vmem_shared>> -> memref<10240x128xf32, #tpu.memory_space<vmem_shared>>
        tpu.enqueue_indirect_dma source(%arg9 : memref<128x128xf32, #tpu.memory_space<vmem>>) target(%dma_start3A_158 : memref<10240x128xf32, #tpu.memory_space<vmem_shared>>) offsets(%dma_start3A_155 : memref<128xi32, #tpu.memory_space<vmem>>) semaphore(%run_scoped3A_152 : memref<!tpu.dma_semaphore, #tpu.memory_space<semaphore_mem>>) {add = true}
        %dma_wait3A_159 = arith.constant 0 : i32
        %dma_wait3A_160 = tpu.memref_slice %arg8[%run_scoped3A, %dma_wait3A_159] : memref<8x128xi32, #tpu.memory_space<vmem>> -> memref<1x128xi32, #tpu.memory_space<vmem>>
        %dma_wait3A_161 = tpu.memref_squeeze %dma_wait3A_160 : memref<1x128xi32, #tpu.memory_space<vmem>> -> memref<128xi32, #tpu.memory_space<vmem>>
        %dma_wait3A_162 = arith.constant 0 : i32
        %dma_wait3A_163 = arith.constant 0 : i32
        %dma_wait3A_164 = tpu.memref_slice %arg11[%dma_wait3A_162, %dma_wait3A_163] : memref<10240x128xf32, #tpu.memory_space<vmem_shared>> -> memref<10240x128xf32, #tpu.memory_space<vmem_shared>>
        tpu.wait_indirect_dma semaphore(%run_scoped3A_152 : memref<!tpu.dma_semaphore, #tpu.memory_space<semaphore_mem>>) src(%arg9 : memref<128x128xf32, #tpu.memory_space<vmem>>) dst(%dma_wait3A_164 : memref<10240x128xf32, #tpu.memory_space<vmem_shared>>)
        tpu.yield
      }) : () -> ()
      %dma_start3A_54 = arith.constant 2 : i32
      %dma_start3A_55 = arith.constant 0 : i32
      %dma_start3A_56 = tpu.memref_slice %arg7[%dma_start3A_54, %dma_start3A_55] : memref<8x128xi32, #tpu.memory_space<vmem>> -> memref<1x128xi32, #tpu.memory_space<vmem>>
      %dma_start3A_57 = tpu.memref_squeeze %dma_start3A_56 : memref<1x128xi32, #tpu.memory_space<vmem>> -> memref<128xi32, #tpu.memory_space<vmem>>
      %dma_start3A_58 = arith.constant 0 : i32
      %dma_start3A_59 = arith.constant 0 : i32
      %dma_start3A_60 = tpu.memref_slice %arg2[%dma_start3A_58, %dma_start3A_59] : memref<40000x128xf32, #tpu.memory_space<hbm>> -> memref<40000x128xf32, #tpu.memory_space<hbm>>
      tpu.enqueue_indirect_dma source(%dma_start3A_60 : memref<40000x128xf32, #tpu.memory_space<hbm>>) target(%arg9 : memref<128x128xf32, #tpu.memory_space<vmem>>) offsets(%dma_start3A_57 : memref<128xi32, #tpu.memory_space<vmem>>) semaphore(%arg12 : memref<!tpu.dma_semaphore, #tpu.memory_space<semaphore_mem>>)
      %dma_wait3A_61 = arith.constant 0 : i32
      %dma_wait3A_62 = arith.constant 0 : i32
      %dma_wait3A_63 = tpu.memref_slice %arg7[%dma_wait3A_61, %dma_wait3A_62] : memref<8x128xi32, #tpu.memory_space<vmem>> -> memref<1x128xi32, #tpu.memory_space<vmem>>
      %dma_wait3A_64 = tpu.memref_squeeze %dma_wait3A_63 : memref<1x128xi32, #tpu.memory_space<vmem>> -> memref<128xi32, #tpu.memory_space<vmem>>
      %dma_wait3A_65 = arith.constant 0 : i32
      %dma_wait3A_66 = arith.constant 0 : i32
      %dma_wait3A_67 = tpu.memref_slice %arg2[%dma_wait3A_65, %dma_wait3A_66] : memref<40000x128xf32, #tpu.memory_space<hbm>> -> memref<40000x128xf32, #tpu.memory_space<hbm>>
      tpu.wait_indirect_dma semaphore(%arg13 : memref<!tpu.dma_semaphore, #tpu.memory_space<semaphore_mem>>) src(%dma_wait3A_67 : memref<40000x128xf32, #tpu.memory_space<hbm>>) dst(%arg10 : memref<128x128xf32, #tpu.memory_space<vmem>>)
      %run_scoped3A_68 = arith.constant 1 : i32
      "tpu.region"() ({
        %run_scoped3A_152 = tpu.sem_alloc : memref<!tpu.dma_semaphore, #tpu.memory_space<semaphore_mem>>
        %dma_start3A_153 = arith.constant 0 : i32
        %dma_start3A_154 = tpu.memref_slice %arg8[%run_scoped3A_68, %dma_start3A_153] : memref<8x128xi32, #tpu.memory_space<vmem>> -> memref<1x128xi32, #tpu.memory_space<vmem>>
        %dma_start3A_155 = tpu.memref_squeeze %dma_start3A_154 : memref<1x128xi32, #tpu.memory_space<vmem>> -> memref<128xi32, #tpu.memory_space<vmem>>
        %dma_start3A_156 = arith.constant 0 : i32
        %dma_start3A_157 = arith.constant 0 : i32
        %dma_start3A_158 = tpu.memref_slice %arg11[%dma_start3A_156, %dma_start3A_157] : memref<10240x128xf32, #tpu.memory_space<vmem_shared>> -> memref<10240x128xf32, #tpu.memory_space<vmem_shared>>
        tpu.enqueue_indirect_dma source(%arg10 : memref<128x128xf32, #tpu.memory_space<vmem>>) target(%dma_start3A_158 : memref<10240x128xf32, #tpu.memory_space<vmem_shared>>) offsets(%dma_start3A_155 : memref<128xi32, #tpu.memory_space<vmem>>) semaphore(%run_scoped3A_152 : memref<!tpu.dma_semaphore, #tpu.memory_space<semaphore_mem>>) {add = true}
        %dma_wait3A_159 = arith.constant 0 : i32
        %dma_wait3A_160 = tpu.memref_slice %arg8[%run_scoped3A_68, %dma_wait3A_159] : memref<8x128xi32, #tpu.memory_space<vmem>> -> memref<1x128xi32, #tpu.memory_space<vmem>>
        %dma_wait3A_161 = tpu.memref_squeeze %dma_wait3A_160 : memref<1x128xi32, #tpu.memory_space<vmem>> -> memref<128xi32, #tpu.memory_space<vmem>>
        %dma_wait3A_162 = arith.constant 0 : i32
        %dma_wait3A_163 = arith.constant 0 : i32
        %dma_wait3A_164 = tpu.memref_slice %arg11[%dma_wait3A_162, %dma_wait3A_163] : memref<10240x128xf32, #tpu.memory_space<vmem_shared>> -> memref<10240x128xf32, #tpu.memory_space<vmem_shared>>
        tpu.wait_indirect_dma semaphore(%run_scoped3A_152 : memref<!tpu.dma_semaphore, #tpu.memory_space<semaphore_mem>>) src(%arg10 : memref<128x128xf32, #tpu.memory_space<vmem>>) dst(%dma_wait3A_164 : memref<10240x128xf32, #tpu.memory_space<vmem_shared>>)
        tpu.yield
      }) : () -> ()
      %dma_start3A_69 = arith.constant 3 : i32
      %dma_start3A_70 = arith.constant 0 : i32
      %dma_start3A_71 = tpu.memref_slice %arg7[%dma_start3A_69, %dma_start3A_70] : memref<8x128xi32, #tpu.memory_space<vmem>> -> memref<1x128xi32, #tpu.memory_space<vmem>>
      %dma_start3A_72 = tpu.memref_squeeze %dma_start3A_71 : memref<1x128xi32, #tpu.memory_space<vmem>> -> memref<128xi32, #tpu.memory_space<vmem>>
      %dma_start3A_73 = arith.constant 0 : i32
      %dma_start3A_74 = arith.constant 0 : i32
      %dma_start3A_75 = tpu.memref_slice %arg2[%dma_start3A_73, %dma_start3A_74] : memref<40000x128xf32, #tpu.memory_space<hbm>> -> memref<40000x128xf32, #tpu.memory_space<hbm>>
      tpu.enqueue_indirect_dma source(%dma_start3A_75 : memref<40000x128xf32, #tpu.memory_space<hbm>>) target(%arg10 : memref<128x128xf32, #tpu.memory_space<vmem>>) offsets(%dma_start3A_72 : memref<128xi32, #tpu.memory_space<vmem>>) semaphore(%arg13 : memref<!tpu.dma_semaphore, #tpu.memory_space<semaphore_mem>>)
      %dma_wait3A_76 = arith.constant 0 : i32
      %dma_wait3A_77 = arith.constant 0 : i32
      %dma_wait3A_78 = tpu.memref_slice %arg7[%dma_wait3A_76, %dma_wait3A_77] : memref<8x128xi32, #tpu.memory_space<vmem>> -> memref<1x128xi32, #tpu.memory_space<vmem>>
      %dma_wait3A_79 = tpu.memref_squeeze %dma_wait3A_78 : memref<1x128xi32, #tpu.memory_space<vmem>> -> memref<128xi32, #tpu.memory_space<vmem>>
      %dma_wait3A_80 = arith.constant 0 : i32
      %dma_wait3A_81 = arith.constant 0 : i32
      %dma_wait3A_82 = tpu.memref_slice %arg2[%dma_wait3A_80, %dma_wait3A_81] : memref<40000x128xf32, #tpu.memory_space<hbm>> -> memref<40000x128xf32, #tpu.memory_space<hbm>>
      tpu.wait_indirect_dma semaphore(%arg12 : memref<!tpu.dma_semaphore, #tpu.memory_space<semaphore_mem>>) src(%dma_wait3A_82 : memref<40000x128xf32, #tpu.memory_space<hbm>>) dst(%arg9 : memref<128x128xf32, #tpu.memory_space<vmem>>)
      %run_scoped3A_83 = arith.constant 2 : i32
      "tpu.region"() ({
        %run_scoped3A_152 = tpu.sem_alloc : memref<!tpu.dma_semaphore, #tpu.memory_space<semaphore_mem>>
        %dma_start3A_153 = arith.constant 0 : i32
        %dma_start3A_154 = tpu.memref_slice %arg8[%run_scoped3A_83, %dma_start3A_153] : memref<8x128xi32, #tpu.memory_space<vmem>> -> memref<1x128xi32, #tpu.memory_space<vmem>>
        %dma_start3A_155 = tpu.memref_squeeze %dma_start3A_154 : memref<1x128xi32, #tpu.memory_space<vmem>> -> memref<128xi32, #tpu.memory_space<vmem>>
        %dma_start3A_156 = arith.constant 0 : i32
        %dma_start3A_157 = arith.constant 0 : i32
        %dma_start3A_158 = tpu.memref_slice %arg11[%dma_start3A_156, %dma_start3A_157] : memref<10240x128xf32, #tpu.memory_space<vmem_shared>> -> memref<10240x128xf32, #tpu.memory_space<vmem_shared>>
        tpu.enqueue_indirect_dma source(%arg9 : memref<128x128xf32, #tpu.memory_space<vmem>>) target(%dma_start3A_158 : memref<10240x128xf32, #tpu.memory_space<vmem_shared>>) offsets(%dma_start3A_155 : memref<128xi32, #tpu.memory_space<vmem>>) semaphore(%run_scoped3A_152 : memref<!tpu.dma_semaphore, #tpu.memory_space<semaphore_mem>>) {add = true}
        %dma_wait3A_159 = arith.constant 0 : i32
        %dma_wait3A_160 = tpu.memref_slice %arg8[%run_scoped3A_83, %dma_wait3A_159] : memref<8x128xi32, #tpu.memory_space<vmem>> -> memref<1x128xi32, #tpu.memory_space<vmem>>
        %dma_wait3A_161 = tpu.memref_squeeze %dma_wait3A_160 : memref<1x128xi32, #tpu.memory_space<vmem>> -> memref<128xi32, #tpu.memory_space<vmem>>
        %dma_wait3A_162 = arith.constant 0 : i32
        %dma_wait3A_163 = arith.constant 0 : i32
        %dma_wait3A_164 = tpu.memref_slice %arg11[%dma_wait3A_162, %dma_wait3A_163] : memref<10240x128xf32, #tpu.memory_space<vmem_shared>> -> memref<10240x128xf32, #tpu.memory_space<vmem_shared>>
        tpu.wait_indirect_dma semaphore(%run_scoped3A_152 : memref<!tpu.dma_semaphore, #tpu.memory_space<semaphore_mem>>) src(%arg9 : memref<128x128xf32, #tpu.memory_space<vmem>>) dst(%dma_wait3A_164 : memref<10240x128xf32, #tpu.memory_space<vmem_shared>>)
        tpu.yield
      }) : () -> ()
      %dma_start3A_84 = arith.constant 4 : i32
      %dma_start3A_85 = arith.constant 0 : i32
      %dma_start3A_86 = tpu.memref_slice %arg7[%dma_start3A_84, %dma_start3A_85] : memref<8x128xi32, #tpu.memory_space<vmem>> -> memref<1x128xi32, #tpu.memory_space<vmem>>
      %dma_start3A_87 = tpu.memref_squeeze %dma_start3A_86 : memref<1x128xi32, #tpu.memory_space<vmem>> -> memref<128xi32, #tpu.memory_space<vmem>>
      %dma_start3A_88 = arith.constant 0 : i32
      %dma_start3A_89 = arith.constant 0 : i32
      %dma_start3A_90 = tpu.memref_slice %arg2[%dma_start3A_88, %dma_start3A_89] : memref<40000x128xf32, #tpu.memory_space<hbm>> -> memref<40000x128xf32, #tpu.memory_space<hbm>>
      tpu.enqueue_indirect_dma source(%dma_start3A_90 : memref<40000x128xf32, #tpu.memory_space<hbm>>) target(%arg9 : memref<128x128xf32, #tpu.memory_space<vmem>>) offsets(%dma_start3A_87 : memref<128xi32, #tpu.memory_space<vmem>>) semaphore(%arg12 : memref<!tpu.dma_semaphore, #tpu.memory_space<semaphore_mem>>)
      %dma_wait3A_91 = arith.constant 0 : i32
      %dma_wait3A_92 = arith.constant 0 : i32
      %dma_wait3A_93 = tpu.memref_slice %arg7[%dma_wait3A_91, %dma_wait3A_92] : memref<8x128xi32, #tpu.memory_space<vmem>> -> memref<1x128xi32, #tpu.memory_space<vmem>>
      %dma_wait3A_94 = tpu.memref_squeeze %dma_wait3A_93 : memref<1x128xi32, #tpu.memory_space<vmem>> -> memref<128xi32, #tpu.memory_space<vmem>>
      %dma_wait3A_95 = arith.constant 0 : i32
      %dma_wait3A_96 = arith.constant 0 : i32
      %dma_wait3A_97 = tpu.memref_slice %arg2[%dma_wait3A_95, %dma_wait3A_96] : memref<40000x128xf32, #tpu.memory_space<hbm>> -> memref<40000x128xf32, #tpu.memory_space<hbm>>
      tpu.wait_indirect_dma semaphore(%arg13 : memref<!tpu.dma_semaphore, #tpu.memory_space<semaphore_mem>>) src(%dma_wait3A_97 : memref<40000x128xf32, #tpu.memory_space<hbm>>) dst(%arg10 : memref<128x128xf32, #tpu.memory_space<vmem>>)
      %run_scoped3A_98 = arith.constant 3 : i32
      "tpu.region"() ({
        %run_scoped3A_152 = tpu.sem_alloc : memref<!tpu.dma_semaphore, #tpu.memory_space<semaphore_mem>>
        %dma_start3A_153 = arith.constant 0 : i32
        %dma_start3A_154 = tpu.memref_slice %arg8[%run_scoped3A_98, %dma_start3A_153] : memref<8x128xi32, #tpu.memory_space<vmem>> -> memref<1x128xi32, #tpu.memory_space<vmem>>
        %dma_start3A_155 = tpu.memref_squeeze %dma_start3A_154 : memref<1x128xi32, #tpu.memory_space<vmem>> -> memref<128xi32, #tpu.memory_space<vmem>>
        %dma_start3A_156 = arith.constant 0 : i32
        %dma_start3A_157 = arith.constant 0 : i32
        %dma_start3A_158 = tpu.memref_slice %arg11[%dma_start3A_156, %dma_start3A_157] : memref<10240x128xf32, #tpu.memory_space<vmem_shared>> -> memref<10240x128xf32, #tpu.memory_space<vmem_shared>>
        tpu.enqueue_indirect_dma source(%arg10 : memref<128x128xf32, #tpu.memory_space<vmem>>) target(%dma_start3A_158 : memref<10240x128xf32, #tpu.memory_space<vmem_shared>>) offsets(%dma_start3A_155 : memref<128xi32, #tpu.memory_space<vmem>>) semaphore(%run_scoped3A_152 : memref<!tpu.dma_semaphore, #tpu.memory_space<semaphore_mem>>) {add = true}
        %dma_wait3A_159 = arith.constant 0 : i32
        %dma_wait3A_160 = tpu.memref_slice %arg8[%run_scoped3A_98, %dma_wait3A_159] : memref<8x128xi32, #tpu.memory_space<vmem>> -> memref<1x128xi32, #tpu.memory_space<vmem>>
        %dma_wait3A_161 = tpu.memref_squeeze %dma_wait3A_160 : memref<1x128xi32, #tpu.memory_space<vmem>> -> memref<128xi32, #tpu.memory_space<vmem>>
        %dma_wait3A_162 = arith.constant 0 : i32
        %dma_wait3A_163 = arith.constant 0 : i32
        %dma_wait3A_164 = tpu.memref_slice %arg11[%dma_wait3A_162, %dma_wait3A_163] : memref<10240x128xf32, #tpu.memory_space<vmem_shared>> -> memref<10240x128xf32, #tpu.memory_space<vmem_shared>>
        tpu.wait_indirect_dma semaphore(%run_scoped3A_152 : memref<!tpu.dma_semaphore, #tpu.memory_space<semaphore_mem>>) src(%arg10 : memref<128x128xf32, #tpu.memory_space<vmem>>) dst(%dma_wait3A_164 : memref<10240x128xf32, #tpu.memory_space<vmem_shared>>)
        tpu.yield
      }) : () -> ()
      %dma_start3A_99 = arith.constant 5 : i32
      %dma_start3A_100 = arith.constant 0 : i32
      %dma_start3A_101 = tpu.memref_slice %arg7[%dma_start3A_99, %dma_start3A_100] : memref<8x128xi32, #tpu.memory_space<vmem>> -> memref<1x128xi32, #tpu.memory_space<vmem>>
      %dma_start3A_102 = tpu.memref_squeeze %dma_start3A_101 : memref<1x128xi32, #tpu.memory_space<vmem>> -> memref<128xi32, #tpu.memory_space<vmem>>
      %dma_start3A_103 = arith.constant 0 : i32
      %dma_start3A_104 = arith.constant 0 : i32
      %dma_start3A_105 = tpu.memref_slice %arg2[%dma_start3A_103, %dma_start3A_104] : memref<40000x128xf32, #tpu.memory_space<hbm>> -> memref<40000x128xf32, #tpu.memory_space<hbm>>
      tpu.enqueue_indirect_dma source(%dma_start3A_105 : memref<40000x128xf32, #tpu.memory_space<hbm>>) target(%arg10 : memref<128x128xf32, #tpu.memory_space<vmem>>) offsets(%dma_start3A_102 : memref<128xi32, #tpu.memory_space<vmem>>) semaphore(%arg13 : memref<!tpu.dma_semaphore, #tpu.memory_space<semaphore_mem>>)
      %dma_wait3A_106 = arith.constant 0 : i32
      %dma_wait3A_107 = arith.constant 0 : i32
      %dma_wait3A_108 = tpu.memref_slice %arg7[%dma_wait3A_106, %dma_wait3A_107] : memref<8x128xi32, #tpu.memory_space<vmem>> -> memref<1x128xi32, #tpu.memory_space<vmem>>
      %dma_wait3A_109 = tpu.memref_squeeze %dma_wait3A_108 : memref<1x128xi32, #tpu.memory_space<vmem>> -> memref<128xi32, #tpu.memory_space<vmem>>
      %dma_wait3A_110 = arith.constant 0 : i32
      %dma_wait3A_111 = arith.constant 0 : i32
      %dma_wait3A_112 = tpu.memref_slice %arg2[%dma_wait3A_110, %dma_wait3A_111] : memref<40000x128xf32, #tpu.memory_space<hbm>> -> memref<40000x128xf32, #tpu.memory_space<hbm>>
      tpu.wait_indirect_dma semaphore(%arg12 : memref<!tpu.dma_semaphore, #tpu.memory_space<semaphore_mem>>) src(%dma_wait3A_112 : memref<40000x128xf32, #tpu.memory_space<hbm>>) dst(%arg9 : memref<128x128xf32, #tpu.memory_space<vmem>>)
      %run_scoped3A_113 = arith.constant 4 : i32
      "tpu.region"() ({
        %run_scoped3A_152 = tpu.sem_alloc : memref<!tpu.dma_semaphore, #tpu.memory_space<semaphore_mem>>
        %dma_start3A_153 = arith.constant 0 : i32
        %dma_start3A_154 = tpu.memref_slice %arg8[%run_scoped3A_113, %dma_start3A_153] : memref<8x128xi32, #tpu.memory_space<vmem>> -> memref<1x128xi32, #tpu.memory_space<vmem>>
        %dma_start3A_155 = tpu.memref_squeeze %dma_start3A_154 : memref<1x128xi32, #tpu.memory_space<vmem>> -> memref<128xi32, #tpu.memory_space<vmem>>
        %dma_start3A_156 = arith.constant 0 : i32
        %dma_start3A_157 = arith.constant 0 : i32
        %dma_start3A_158 = tpu.memref_slice %arg11[%dma_start3A_156, %dma_start3A_157] : memref<10240x128xf32, #tpu.memory_space<vmem_shared>> -> memref<10240x128xf32, #tpu.memory_space<vmem_shared>>
        tpu.enqueue_indirect_dma source(%arg9 : memref<128x128xf32, #tpu.memory_space<vmem>>) target(%dma_start3A_158 : memref<10240x128xf32, #tpu.memory_space<vmem_shared>>) offsets(%dma_start3A_155 : memref<128xi32, #tpu.memory_space<vmem>>) semaphore(%run_scoped3A_152 : memref<!tpu.dma_semaphore, #tpu.memory_space<semaphore_mem>>) {add = true}
        %dma_wait3A_159 = arith.constant 0 : i32
        %dma_wait3A_160 = tpu.memref_slice %arg8[%run_scoped3A_113, %dma_wait3A_159] : memref<8x128xi32, #tpu.memory_space<vmem>> -> memref<1x128xi32, #tpu.memory_space<vmem>>
        %dma_wait3A_161 = tpu.memref_squeeze %dma_wait3A_160 : memref<1x128xi32, #tpu.memory_space<vmem>> -> memref<128xi32, #tpu.memory_space<vmem>>
        %dma_wait3A_162 = arith.constant 0 : i32
        %dma_wait3A_163 = arith.constant 0 : i32
        %dma_wait3A_164 = tpu.memref_slice %arg11[%dma_wait3A_162, %dma_wait3A_163] : memref<10240x128xf32, #tpu.memory_space<vmem_shared>> -> memref<10240x128xf32, #tpu.memory_space<vmem_shared>>
        tpu.wait_indirect_dma semaphore(%run_scoped3A_152 : memref<!tpu.dma_semaphore, #tpu.memory_space<semaphore_mem>>) src(%arg9 : memref<128x128xf32, #tpu.memory_space<vmem>>) dst(%dma_wait3A_164 : memref<10240x128xf32, #tpu.memory_space<vmem_shared>>)
        tpu.yield
      }) : () -> ()
      %dma_start3A_114 = arith.constant 6 : i32
      %dma_start3A_115 = arith.constant 0 : i32
      %dma_start3A_116 = tpu.memref_slice %arg7[%dma_start3A_114, %dma_start3A_115] : memref<8x128xi32, #tpu.memory_space<vmem>> -> memref<1x128xi32, #tpu.memory_space<vmem>>
      %dma_start3A_117 = tpu.memref_squeeze %dma_start3A_116 : memref<1x128xi32, #tpu.memory_space<vmem>> -> memref<128xi32, #tpu.memory_space<vmem>>
      %dma_start3A_118 = arith.constant 0 : i32
      %dma_start3A_119 = arith.constant 0 : i32
      %dma_start3A_120 = tpu.memref_slice %arg2[%dma_start3A_118, %dma_start3A_119] : memref<40000x128xf32, #tpu.memory_space<hbm>> -> memref<40000x128xf32, #tpu.memory_space<hbm>>
      tpu.enqueue_indirect_dma source(%dma_start3A_120 : memref<40000x128xf32, #tpu.memory_space<hbm>>) target(%arg9 : memref<128x128xf32, #tpu.memory_space<vmem>>) offsets(%dma_start3A_117 : memref<128xi32, #tpu.memory_space<vmem>>) semaphore(%arg12 : memref<!tpu.dma_semaphore, #tpu.memory_space<semaphore_mem>>)
      %dma_wait3A_121 = arith.constant 0 : i32
      %dma_wait3A_122 = arith.constant 0 : i32
      %dma_wait3A_123 = tpu.memref_slice %arg7[%dma_wait3A_121, %dma_wait3A_122] : memref<8x128xi32, #tpu.memory_space<vmem>> -> memref<1x128xi32, #tpu.memory_space<vmem>>
      %dma_wait3A_124 = tpu.memref_squeeze %dma_wait3A_123 : memref<1x128xi32, #tpu.memory_space<vmem>> -> memref<128xi32, #tpu.memory_space<vmem>>
      %dma_wait3A_125 = arith.constant 0 : i32
      %dma_wait3A_126 = arith.constant 0 : i32
      %dma_wait3A_127 = tpu.memref_slice %arg2[%dma_wait3A_125, %dma_wait3A_126] : memref<40000x128xf32, #tpu.memory_space<hbm>> -> memref<40000x128xf32, #tpu.memory_space<hbm>>
      tpu.wait_indirect_dma semaphore(%arg13 : memref<!tpu.dma_semaphore, #tpu.memory_space<semaphore_mem>>) src(%dma_wait3A_127 : memref<40000x128xf32, #tpu.memory_space<hbm>>) dst(%arg10 : memref<128x128xf32, #tpu.memory_space<vmem>>)
      %run_scoped3A_128 = arith.constant 5 : i32
      "tpu.region"() ({
        %run_scoped3A_152 = tpu.sem_alloc : memref<!tpu.dma_semaphore, #tpu.memory_space<semaphore_mem>>
        %dma_start3A_153 = arith.constant 0 : i32
        %dma_start3A_154 = tpu.memref_slice %arg8[%run_scoped3A_128, %dma_start3A_153] : memref<8x128xi32, #tpu.memory_space<vmem>> -> memref<1x128xi32, #tpu.memory_space<vmem>>
        %dma_start3A_155 = tpu.memref_squeeze %dma_start3A_154 : memref<1x128xi32, #tpu.memory_space<vmem>> -> memref<128xi32, #tpu.memory_space<vmem>>
        %dma_start3A_156 = arith.constant 0 : i32
        %dma_start3A_157 = arith.constant 0 : i32
        %dma_start3A_158 = tpu.memref_slice %arg11[%dma_start3A_156, %dma_start3A_157] : memref<10240x128xf32, #tpu.memory_space<vmem_shared>> -> memref<10240x128xf32, #tpu.memory_space<vmem_shared>>
        tpu.enqueue_indirect_dma source(%arg10 : memref<128x128xf32, #tpu.memory_space<vmem>>) target(%dma_start3A_158 : memref<10240x128xf32, #tpu.memory_space<vmem_shared>>) offsets(%dma_start3A_155 : memref<128xi32, #tpu.memory_space<vmem>>) semaphore(%run_scoped3A_152 : memref<!tpu.dma_semaphore, #tpu.memory_space<semaphore_mem>>) {add = true}
        %dma_wait3A_159 = arith.constant 0 : i32
        %dma_wait3A_160 = tpu.memref_slice %arg8[%run_scoped3A_128, %dma_wait3A_159] : memref<8x128xi32, #tpu.memory_space<vmem>> -> memref<1x128xi32, #tpu.memory_space<vmem>>
        %dma_wait3A_161 = tpu.memref_squeeze %dma_wait3A_160 : memref<1x128xi32, #tpu.memory_space<vmem>> -> memref<128xi32, #tpu.memory_space<vmem>>
        %dma_wait3A_162 = arith.constant 0 : i32
        %dma_wait3A_163 = arith.constant 0 : i32
        %dma_wait3A_164 = tpu.memref_slice %arg11[%dma_wait3A_162, %dma_wait3A_163] : memref<10240x128xf32, #tpu.memory_space<vmem_shared>> -> memref<10240x128xf32, #tpu.memory_space<vmem_shared>>
        tpu.wait_indirect_dma semaphore(%run_scoped3A_152 : memref<!tpu.dma_semaphore, #tpu.memory_space<semaphore_mem>>) src(%arg10 : memref<128x128xf32, #tpu.memory_space<vmem>>) dst(%dma_wait3A_164 : memref<10240x128xf32, #tpu.memory_space<vmem_shared>>)
        tpu.yield
      }) : () -> ()
      %dma_start3A_129 = arith.constant 7 : i32
      %dma_start3A_130 = arith.constant 0 : i32
      %dma_start3A_131 = tpu.memref_slice %arg7[%dma_start3A_129, %dma_start3A_130] : memref<8x128xi32, #tpu.memory_space<vmem>> -> memref<1x128xi32, #tpu.memory_space<vmem>>
      %dma_start3A_132 = tpu.memref_squeeze %dma_start3A_131 : memref<1x128xi32, #tpu.memory_space<vmem>> -> memref<128xi32, #tpu.memory_space<vmem>>
      %dma_start3A_133 = arith.constant 0 : i32
      %dma_start3A_134 = arith.constant 0 : i32
      %dma_start3A_135 = tpu.memref_slice %arg2[%dma_start3A_133, %dma_start3A_134] : memref<40000x128xf32, #tpu.memory_space<hbm>> -> memref<40000x128xf32, #tpu.memory_space<hbm>>
      tpu.enqueue_indirect_dma source(%dma_start3A_135 : memref<40000x128xf32, #tpu.memory_space<hbm>>) target(%arg10 : memref<128x128xf32, #tpu.memory_space<vmem>>) offsets(%dma_start3A_132 : memref<128xi32, #tpu.memory_space<vmem>>) semaphore(%arg13 : memref<!tpu.dma_semaphore, #tpu.memory_space<semaphore_mem>>)
      %dma_wait3A_136 = arith.constant 0 : i32
      %dma_wait3A_137 = arith.constant 0 : i32
      %dma_wait3A_138 = tpu.memref_slice %arg7[%dma_wait3A_136, %dma_wait3A_137] : memref<8x128xi32, #tpu.memory_space<vmem>> -> memref<1x128xi32, #tpu.memory_space<vmem>>
      %dma_wait3A_139 = tpu.memref_squeeze %dma_wait3A_138 : memref<1x128xi32, #tpu.memory_space<vmem>> -> memref<128xi32, #tpu.memory_space<vmem>>
      %dma_wait3A_140 = arith.constant 0 : i32
      %dma_wait3A_141 = arith.constant 0 : i32
      %dma_wait3A_142 = tpu.memref_slice %arg2[%dma_wait3A_140, %dma_wait3A_141] : memref<40000x128xf32, #tpu.memory_space<hbm>> -> memref<40000x128xf32, #tpu.memory_space<hbm>>
      tpu.wait_indirect_dma semaphore(%arg12 : memref<!tpu.dma_semaphore, #tpu.memory_space<semaphore_mem>>) src(%dma_wait3A_142 : memref<40000x128xf32, #tpu.memory_space<hbm>>) dst(%arg9 : memref<128x128xf32, #tpu.memory_space<vmem>>)
      %run_scoped3A_143 = arith.constant 6 : i32
      "tpu.region"() ({
        %run_scoped3A_152 = tpu.sem_alloc : memref<!tpu.dma_semaphore, #tpu.memory_space<semaphore_mem>>
        %dma_start3A_153 = arith.constant 0 : i32
        %dma_start3A_154 = tpu.memref_slice %arg8[%run_scoped3A_143, %dma_start3A_153] : memref<8x128xi32, #tpu.memory_space<vmem>> -> memref<1x128xi32, #tpu.memory_space<vmem>>
        %dma_start3A_155 = tpu.memref_squeeze %dma_start3A_154 : memref<1x128xi32, #tpu.memory_space<vmem>> -> memref<128xi32, #tpu.memory_space<vmem>>
        %dma_start3A_156 = arith.constant 0 : i32
        %dma_start3A_157 = arith.constant 0 : i32
        %dma_start3A_158 = tpu.memref_slice %arg11[%dma_start3A_156, %dma_start3A_157] : memref<10240x128xf32, #tpu.memory_space<vmem_shared>> -> memref<10240x128xf32, #tpu.memory_space<vmem_shared>>
        tpu.enqueue_indirect_dma source(%arg9 : memref<128x128xf32, #tpu.memory_space<vmem>>) target(%dma_start3A_158 : memref<10240x128xf32, #tpu.memory_space<vmem_shared>>) offsets(%dma_start3A_155 : memref<128xi32, #tpu.memory_space<vmem>>) semaphore(%run_scoped3A_152 : memref<!tpu.dma_semaphore, #tpu.memory_space<semaphore_mem>>) {add = true}
        %dma_wait3A_159 = arith.constant 0 : i32
        %dma_wait3A_160 = tpu.memref_slice %arg8[%run_scoped3A_143, %dma_wait3A_159] : memref<8x128xi32, #tpu.memory_space<vmem>> -> memref<1x128xi32, #tpu.memory_space<vmem>>
        %dma_wait3A_161 = tpu.memref_squeeze %dma_wait3A_160 : memref<1x128xi32, #tpu.memory_space<vmem>> -> memref<128xi32, #tpu.memory_space<vmem>>
        %dma_wait3A_162 = arith.constant 0 : i32
        %dma_wait3A_163 = arith.constant 0 : i32
        %dma_wait3A_164 = tpu.memref_slice %arg11[%dma_wait3A_162, %dma_wait3A_163] : memref<10240x128xf32, #tpu.memory_space<vmem_shared>> -> memref<10240x128xf32, #tpu.memory_space<vmem_shared>>
        tpu.wait_indirect_dma semaphore(%run_scoped3A_152 : memref<!tpu.dma_semaphore, #tpu.memory_space<semaphore_mem>>) src(%arg9 : memref<128x128xf32, #tpu.memory_space<vmem>>) dst(%dma_wait3A_164 : memref<10240x128xf32, #tpu.memory_space<vmem_shared>>)
        tpu.yield
      }) : () -> ()
      %dma_wait3A_144 = arith.constant 0 : i32
      %dma_wait3A_145 = arith.constant 0 : i32
      %dma_wait3A_146 = tpu.memref_slice %arg7[%dma_wait3A_144, %dma_wait3A_145] : memref<8x128xi32, #tpu.memory_space<vmem>> -> memref<1x128xi32, #tpu.memory_space<vmem>>
      %dma_wait3A_147 = tpu.memref_squeeze %dma_wait3A_146 : memref<1x128xi32, #tpu.memory_space<vmem>> -> memref<128xi32, #tpu.memory_space<vmem>>
      %dma_wait3A_148 = arith.constant 0 : i32
      %dma_wait3A_149 = arith.constant 0 : i32
      %dma_wait3A_150 = tpu.memref_slice %arg2[%dma_wait3A_148, %dma_wait3A_149] : memref<40000x128xf32, #tpu.memory_space<hbm>> -> memref<40000x128xf32, #tpu.memory_space<hbm>>
      tpu.wait_indirect_dma semaphore(%arg13 : memref<!tpu.dma_semaphore, #tpu.memory_space<semaphore_mem>>) src(%dma_wait3A_150 : memref<40000x128xf32, #tpu.memory_space<hbm>>) dst(%arg10 : memref<128x128xf32, #tpu.memory_space<vmem>>)
      %run_scoped3A_151 = arith.constant 7 : i32
      "tpu.region"() ({
        %run_scoped3A_152 = tpu.sem_alloc : memref<!tpu.dma_semaphore, #tpu.memory_space<semaphore_mem>>
        %dma_start3A_153 = arith.constant 0 : i32
        %dma_start3A_154 = tpu.memref_slice %arg8[%run_scoped3A_151, %dma_start3A_153] : memref<8x128xi32, #tpu.memory_space<vmem>> -> memref<1x128xi32, #tpu.memory_space<vmem>>
        %dma_start3A_155 = tpu.memref_squeeze %dma_start3A_154 : memref<1x128xi32, #tpu.memory_space<vmem>> -> memref<128xi32, #tpu.memory_space<vmem>>
        %dma_start3A_156 = arith.constant 0 : i32
        %dma_start3A_157 = arith.constant 0 : i32
        %dma_start3A_158 = tpu.memref_slice %arg11[%dma_start3A_156, %dma_start3A_157] : memref<10240x128xf32, #tpu.memory_space<vmem_shared>> -> memref<10240x128xf32, #tpu.memory_space<vmem_shared>>
        tpu.enqueue_indirect_dma source(%arg10 : memref<128x128xf32, #tpu.memory_space<vmem>>) target(%dma_start3A_158 : memref<10240x128xf32, #tpu.memory_space<vmem_shared>>) offsets(%dma_start3A_155 : memref<128xi32, #tpu.memory_space<vmem>>) semaphore(%run_scoped3A_152 : memref<!tpu.dma_semaphore, #tpu.memory_space<semaphore_mem>>) {add = true}
        %dma_wait3A_159 = arith.constant 0 : i32
        %dma_wait3A_160 = tpu.memref_slice %arg8[%run_scoped3A_151, %dma_wait3A_159] : memref<8x128xi32, #tpu.memory_space<vmem>> -> memref<1x128xi32, #tpu.memory_space<vmem>>
        %dma_wait3A_161 = tpu.memref_squeeze %dma_wait3A_160 : memref<1x128xi32, #tpu.memory_space<vmem>> -> memref<128xi32, #tpu.memory_space<vmem>>
        %dma_wait3A_162 = arith.constant 0 : i32
        %dma_wait3A_163 = arith.constant 0 : i32
        %dma_wait3A_164 = tpu.memref_slice %arg11[%dma_wait3A_162, %dma_wait3A_163] : memref<10240x128xf32, #tpu.memory_space<vmem_shared>> -> memref<10240x128xf32, #tpu.memory_space<vmem_shared>>
        tpu.wait_indirect_dma semaphore(%run_scoped3A_152 : memref<!tpu.dma_semaphore, #tpu.memory_space<semaphore_mem>>) src(%arg10 : memref<128x128xf32, #tpu.memory_space<vmem>>) dst(%dma_wait3A_164 : memref<10240x128xf32, #tpu.memory_space<vmem_shared>>)
        tpu.yield
      }) : () -> ()
    }
    %scan3A_8 = arith.constant 10 : i32
    %barrier3A_9 = arith.constant 0 : index
    tpu.barrier barrier_id(%barrier3A_9)
    %mul3A_10 = arith.constant 640 : i32
    %mul3A_11 = arith.muli %arg1, %mul3A_10 : i32
    %mul3A_12 = arith.constant 640 : i32
    %mul3A_13 = arith.muli %arg1, %mul3A_12 : i32
    "tpu.region"() ({
      %run_scoped3A = tpu.sem_alloc : memref<!tpu.dma_semaphore, #tpu.memory_space<semaphore_mem>>
      %dma_start3A = arith.constant 0 : i32
      %dma_start3A_34 = tpu.memref_slice %arg6[%add3A_1, %mul3A_13, %dma_start3A] : memref<4x10240x128xf32, #tpu.memory_space<hbm>> -> memref<1x640x128xf32, #tpu.memory_space<hbm>>
      %dma_start3A_35 = tpu.memref_squeeze %dma_start3A_34 : memref<1x640x128xf32, #tpu.memory_space<hbm>> -> memref<640x128xf32, #tpu.memory_space<hbm>>
      %dma_start3A_36 = arith.constant 0 : i32
      %dma_start3A_37 = tpu.memref_slice %arg11[%mul3A_11, %dma_start3A_36] : memref<10240x128xf32, #tpu.memory_space<vmem_shared>> -> memref<640x128xf32, #tpu.memory_space<vmem_shared>>
      tpu.enqueue_dma source(%dma_start3A_37 : memref<640x128xf32, #tpu.memory_space<vmem_shared>>) target(%dma_start3A_35 : memref<640x128xf32, #tpu.memory_space<hbm>>) target_semaphore(%run_scoped3A : memref<!tpu.dma_semaphore, #tpu.memory_space<semaphore_mem>>)
      %dma_wait3A = arith.constant 0 : i32
      %dma_wait3A_38 = tpu.memref_slice %arg6[%add3A_1, %mul3A_13, %dma_wait3A] : memref<4x10240x128xf32, #tpu.memory_space<hbm>> -> memref<1x640x128xf32, #tpu.memory_space<hbm>>
      %dma_wait3A_39 = tpu.memref_squeeze %dma_wait3A_38 : memref<1x640x128xf32, #tpu.memory_space<hbm>> -> memref<640x128xf32, #tpu.memory_space<hbm>>
      %dma_wait3A_40 = arith.constant 0 : i32
      %dma_wait3A_41 = tpu.memref_slice %arg11[%mul3A_11, %dma_wait3A_40] : memref<10240x128xf32, #tpu.memory_space<vmem_shared>> -> memref<640x128xf32, #tpu.memory_space<vmem_shared>>
      tpu.wait_dma2 semaphore(%run_scoped3A : memref<!tpu.dma_semaphore, #tpu.memory_space<semaphore_mem>>) src(%dma_wait3A_41 : memref<640x128xf32, #tpu.memory_space<vmem_shared>>) dst(%dma_wait3A_39 : memref<640x128xf32, #tpu.memory_space<hbm>>)
      tpu.yield
    }) : () -> ()
    %barrier3A_14 = arith.constant 0 : index
    tpu.barrier barrier_id(%barrier3A_14)
    %mul3A_15 = arith.constant 2 : i32
    %mul3A_16 = arith.muli %arg0, %mul3A_15 : i32
    %add3A_17 = arith.constant 1 : i32
    %add3A_18 = arith.addi %mul3A_16, %add3A_17 : i32
    %mul3A_19 = arith.constant 640 : i32
    %mul3A_20 = arith.muli %arg1, %mul3A_19 : i32
    "tpu.region"() ({
      %run_scoped3A = tpu.sem_alloc : memref<!tpu.dma_semaphore, #tpu.memory_space<semaphore_mem>>
      %dma_start3A = arith.constant 0 : i32
      %dma_start3A_34 = tpu.memref_slice %arg11[%mul3A_20, %dma_start3A] : memref<10240x128xf32, #tpu.memory_space<vmem_shared>> -> memref<640x128xf32, #tpu.memory_space<vmem_shared>>
      tpu.enqueue_dma source(%arg5 : memref<640x128xf32, #tpu.memory_space<hbm>>) target(%dma_start3A_34 : memref<640x128xf32, #tpu.memory_space<vmem_shared>>) target_semaphore(%run_scoped3A : memref<!tpu.dma_semaphore, #tpu.memory_space<semaphore_mem>>)
      %dma_wait3A = arith.constant 0 : i32
      %dma_wait3A_35 = tpu.memref_slice %arg11[%mul3A_20, %dma_wait3A] : memref<10240x128xf32, #tpu.memory_space<vmem_shared>> -> memref<640x128xf32, #tpu.memory_space<vmem_shared>>
      tpu.wait_dma2 semaphore(%run_scoped3A : memref<!tpu.dma_semaphore, #tpu.memory_space<semaphore_mem>>) src(%arg5 : memref<640x128xf32, #tpu.memory_space<hbm>>) dst(%dma_wait3A_35 : memref<640x128xf32, #tpu.memory_space<vmem_shared>>)
      tpu.yield
    }) : () -> ()
    %barrier3A_21 = arith.constant 0 : index
    tpu.barrier barrier_id(%barrier3A_21)
    %scan3A_22 = arith.constant 0 : i32
    %scan3A_23 = arith.constant 0 : i32
    %scan3A_24 = arith.constant 10 : i32
    %scan3A_25 = arith.addi %scan3A_23, %scan3A_24 : i32
    %scan3A_26 = arith.constant 1 : i32
    scf.for %scan3A_34 = %scan3A_23 to %scan3A_25 step %scan3A_26  : i32 {
      "tpu.region"() ({
        %run_scoped3A_152 = tpu.sem_alloc : memref<!tpu.dma_semaphore, #tpu.memory_space<semaphore_mem>>
        %dma_start3A_153 = arith.constant 0 : i32
        %dma_start3A_154 = arith.constant 0 : i32
        %dma_start3A_155 = tpu.memref_slice %arg3[%add3A_18, %arg1, %scan3A_34, %dma_start3A_153, %dma_start3A_154] : memref<4x16x10x8x128xi32, #tpu.memory_space<hbm>> -> memref<1x1x1x8x128xi32, #tpu.memory_space<hbm>>
        %dma_start3A_156 = tpu.memref_squeeze %dma_start3A_155 : memref<1x1x1x8x128xi32, #tpu.memory_space<hbm>> -> memref<8x128xi32, #tpu.memory_space<hbm>>
        %dma_start3A_157 = arith.constant 0 : i32
        %dma_start3A_158 = arith.constant 0 : i32
        %dma_start3A_159 = tpu.memref_slice %arg3[%add3A_18, %arg1, %scan3A_34, %dma_start3A_157, %dma_start3A_158] : memref<4x16x10x8x128xi32, #tpu.memory_space<hbm>> -> memref<1x1x1x8x128xi32, #tpu.memory_space<hbm>>
        %dma_start3A_160 = tpu.memref_squeeze %dma_start3A_159 : memref<1x1x1x8x128xi32, #tpu.memory_space<hbm>> -> memref<8x128xi32, #tpu.memory_space<hbm>>
        tpu.enqueue_dma source(%dma_start3A_160 : memref<8x128xi32, #tpu.memory_space<hbm>>) target(%arg7 : memref<8x128xi32, #tpu.memory_space<vmem>>) target_semaphore(%run_scoped3A_152 : memref<!tpu.dma_semaphore, #tpu.memory_space<semaphore_mem>>)
        %dma_wait3A_161 = arith.constant 0 : i32
        %dma_wait3A_162 = arith.constant 0 : i32
        %dma_wait3A_163 = tpu.memref_slice %arg3[%add3A_18, %arg1, %scan3A_34, %dma_wait3A_161, %dma_wait3A_162] : memref<4x16x10x8x128xi32, #tpu.memory_space<hbm>> -> memref<1x1x1x8x128xi32, #tpu.memory_space<hbm>>
        %dma_wait3A_164 = tpu.memref_squeeze %dma_wait3A_163 : memref<1x1x1x8x128xi32, #tpu.memory_space<hbm>> -> memref<8x128xi32, #tpu.memory_space<hbm>>
        %dma_wait3A_165 = arith.constant 0 : i32
        %dma_wait3A_166 = arith.constant 0 : i32
        %dma_wait3A_167 = tpu.memref_slice %arg3[%add3A_18, %arg1, %scan3A_34, %dma_wait3A_165, %dma_wait3A_166] : memref<4x16x10x8x128xi32, #tpu.memory_space<hbm>> -> memref<1x1x1x8x128xi32, #tpu.memory_space<hbm>>
        %dma_wait3A_168 = tpu.memref_squeeze %dma_wait3A_167 : memref<1x1x1x8x128xi32, #tpu.memory_space<hbm>> -> memref<8x128xi32, #tpu.memory_space<hbm>>
        tpu.wait_dma2 semaphore(%run_scoped3A_152 : memref<!tpu.dma_semaphore, #tpu.memory_space<semaphore_mem>>) src(%dma_wait3A_168 : memref<8x128xi32, #tpu.memory_space<hbm>>) dst(%arg7 : memref<8x128xi32, #tpu.memory_space<vmem>>)
        tpu.yield
      }) : () -> ()
      "tpu.region"() ({
        %run_scoped3A_152 = tpu.sem_alloc : memref<!tpu.dma_semaphore, #tpu.memory_space<semaphore_mem>>
        %dma_start3A_153 = arith.constant 0 : i32
        %dma_start3A_154 = arith.constant 0 : i32
        %dma_start3A_155 = tpu.memref_slice %arg4[%arg1, %scan3A_34, %dma_start3A_153, %dma_start3A_154] : memref<16x10x8x128xi32, #tpu.memory_space<hbm>> -> memref<1x1x8x128xi32, #tpu.memory_space<hbm>>
        %dma_start3A_156 = tpu.memref_squeeze %dma_start3A_155 : memref<1x1x8x128xi32, #tpu.memory_space<hbm>> -> memref<8x128xi32, #tpu.memory_space<hbm>>
        %dma_start3A_157 = arith.constant 0 : i32
        %dma_start3A_158 = arith.constant 0 : i32
        %dma_start3A_159 = tpu.memref_slice %arg4[%arg1, %scan3A_34, %dma_start3A_157, %dma_start3A_158] : memref<16x10x8x128xi32, #tpu.memory_space<hbm>> -> memref<1x1x8x128xi32, #tpu.memory_space<hbm>>
        %dma_start3A_160 = tpu.memref_squeeze %dma_start3A_159 : memref<1x1x8x128xi32, #tpu.memory_space<hbm>> -> memref<8x128xi32, #tpu.memory_space<hbm>>
        tpu.enqueue_dma source(%dma_start3A_160 : memref<8x128xi32, #tpu.memory_space<hbm>>) target(%arg8 : memref<8x128xi32, #tpu.memory_space<vmem>>) target_semaphore(%run_scoped3A_152 : memref<!tpu.dma_semaphore, #tpu.memory_space<semaphore_mem>>)
        %dma_wait3A_161 = arith.constant 0 : i32
        %dma_wait3A_162 = arith.constant 0 : i32
        %dma_wait3A_163 = tpu.memref_slice %arg4[%arg1, %scan3A_34, %dma_wait3A_161, %dma_wait3A_162] : memref<16x10x8x128xi32, #tpu.memory_space<hbm>> -> memref<1x1x8x128xi32, #tpu.memory_space<hbm>>
        %dma_wait3A_164 = tpu.memref_squeeze %dma_wait3A_163 : memref<1x1x8x128xi32, #tpu.memory_space<hbm>> -> memref<8x128xi32, #tpu.memory_space<hbm>>
        %dma_wait3A_165 = arith.constant 0 : i32
        %dma_wait3A_166 = arith.constant 0 : i32
        %dma_wait3A_167 = tpu.memref_slice %arg4[%arg1, %scan3A_34, %dma_wait3A_165, %dma_wait3A_166] : memref<16x10x8x128xi32, #tpu.memory_space<hbm>> -> memref<1x1x8x128xi32, #tpu.memory_space<hbm>>
        %dma_wait3A_168 = tpu.memref_squeeze %dma_wait3A_167 : memref<1x1x8x128xi32, #tpu.memory_space<hbm>> -> memref<8x128xi32, #tpu.memory_space<hbm>>
        tpu.wait_dma2 semaphore(%run_scoped3A_152 : memref<!tpu.dma_semaphore, #tpu.memory_space<semaphore_mem>>) src(%dma_wait3A_168 : memref<8x128xi32, #tpu.memory_space<hbm>>) dst(%arg8 : memref<8x128xi32, #tpu.memory_space<vmem>>)
        tpu.yield
      }) : () -> ()
      %dma_start3A = arith.constant 0 : i32
      %dma_start3A_35 = arith.constant 0 : i32
      %dma_start3A_36 = tpu.memref_slice %arg7[%dma_start3A, %dma_start3A_35] : memref<8x128xi32, #tpu.memory_space<vmem>> -> memref<1x128xi32, #tpu.memory_space<vmem>>
      %dma_start3A_37 = tpu.memref_squeeze %dma_start3A_36 : memref<1x128xi32, #tpu.memory_space<vmem>> -> memref<128xi32, #tpu.memory_space<vmem>>
      %dma_start3A_38 = arith.constant 0 : i32
      %dma_start3A_39 = arith.constant 0 : i32
      %dma_start3A_40 = tpu.memref_slice %arg2[%dma_start3A_38, %dma_start3A_39] : memref<40000x128xf32, #tpu.memory_space<hbm>> -> memref<40000x128xf32, #tpu.memory_space<hbm>>
      tpu.enqueue_indirect_dma source(%dma_start3A_40 : memref<40000x128xf32, #tpu.memory_space<hbm>>) target(%arg9 : memref<128x128xf32, #tpu.memory_space<vmem>>) offsets(%dma_start3A_37 : memref<128xi32, #tpu.memory_space<vmem>>) semaphore(%arg12 : memref<!tpu.dma_semaphore, #tpu.memory_space<semaphore_mem>>)
      %dma_start3A_41 = arith.constant 1 : i32
      %dma_start3A_42 = arith.constant 0 : i32
      %dma_start3A_43 = tpu.memref_slice %arg7[%dma_start3A_41, %dma_start3A_42] : memref<8x128xi32, #tpu.memory_space<vmem>> -> memref<1x128xi32, #tpu.memory_space<vmem>>
      %dma_start3A_44 = tpu.memref_squeeze %dma_start3A_43 : memref<1x128xi32, #tpu.memory_space<vmem>> -> memref<128xi32, #tpu.memory_space<vmem>>
      %dma_start3A_45 = arith.constant 0 : i32
      %dma_start3A_46 = arith.constant 0 : i32
      %dma_start3A_47 = tpu.memref_slice %arg2[%dma_start3A_45, %dma_start3A_46] : memref<40000x128xf32, #tpu.memory_space<hbm>> -> memref<40000x128xf32, #tpu.memory_space<hbm>>
      tpu.enqueue_indirect_dma source(%dma_start3A_47 : memref<40000x128xf32, #tpu.memory_space<hbm>>) target(%arg10 : memref<128x128xf32, #tpu.memory_space<vmem>>) offsets(%dma_start3A_44 : memref<128xi32, #tpu.memory_space<vmem>>) semaphore(%arg13 : memref<!tpu.dma_semaphore, #tpu.memory_space<semaphore_mem>>)
      %dma_wait3A = arith.constant 0 : i32
      %dma_wait3A_48 = arith.constant 0 : i32
      %dma_wait3A_49 = tpu.memref_slice %arg7[%dma_wait3A, %dma_wait3A_48] : memref<8x128xi32, #tpu.memory_space<vmem>> -> memref<1x128xi32, #tpu.memory_space<vmem>>
      %dma_wait3A_50 = tpu.memref_squeeze %dma_wait3A_49 : memref<1x128xi32, #tpu.memory_space<vmem>> -> memref<128xi32, #tpu.memory_space<vmem>>
      %dma_wait3A_51 = arith.constant 0 : i32
      %dma_wait3A_52 = arith.constant 0 : i32
      %dma_wait3A_53 = tpu.memref_slice %arg2[%dma_wait3A_51, %dma_wait3A_52] : memref<40000x128xf32, #tpu.memory_space<hbm>> -> memref<40000x128xf32, #tpu.memory_space<hbm>>
      tpu.wait_indirect_dma semaphore(%arg12 : memref<!tpu.dma_semaphore, #tpu.memory_space<semaphore_mem>>) src(%dma_wait3A_53 : memref<40000x128xf32, #tpu.memory_space<hbm>>) dst(%arg9 : memref<128x128xf32, #tpu.memory_space<vmem>>)
      %run_scoped3A = arith.constant 0 : i32
      "tpu.region"() ({
        %run_scoped3A_152 = tpu.sem_alloc : memref<!tpu.dma_semaphore, #tpu.memory_space<semaphore_mem>>
        %dma_start3A_153 = arith.constant 0 : i32
        %dma_start3A_154 = tpu.memref_slice %arg8[%run_scoped3A, %dma_start3A_153] : memref<8x128xi32, #tpu.memory_space<vmem>> -> memref<1x128xi32, #tpu.memory_space<vmem>>
        %dma_start3A_155 = tpu.memref_squeeze %dma_start3A_154 : memref<1x128xi32, #tpu.memory_space<vmem>> -> memref<128xi32, #tpu.memory_space<vmem>>
        %dma_start3A_156 = arith.constant 0 : i32
        %dma_start3A_157 = arith.constant 0 : i32
        %dma_start3A_158 = tpu.memref_slice %arg11[%dma_start3A_156, %dma_start3A_157] : memref<10240x128xf32, #tpu.memory_space<vmem_shared>> -> memref<10240x128xf32, #tpu.memory_space<vmem_shared>>
        tpu.enqueue_indirect_dma source(%arg9 : memref<128x128xf32, #tpu.memory_space<vmem>>) target(%dma_start3A_158 : memref<10240x128xf32, #tpu.memory_space<vmem_shared>>) offsets(%dma_start3A_155 : memref<128xi32, #tpu.memory_space<vmem>>) semaphore(%run_scoped3A_152 : memref<!tpu.dma_semaphore, #tpu.memory_space<semaphore_mem>>) {add = true}
        %dma_wait3A_159 = arith.constant 0 : i32
        %dma_wait3A_160 = tpu.memref_slice %arg8[%run_scoped3A, %dma_wait3A_159] : memref<8x128xi32, #tpu.memory_space<vmem>> -> memref<1x128xi32, #tpu.memory_space<vmem>>
        %dma_wait3A_161 = tpu.memref_squeeze %dma_wait3A_160 : memref<1x128xi32, #tpu.memory_space<vmem>> -> memref<128xi32, #tpu.memory_space<vmem>>
        %dma_wait3A_162 = arith.constant 0 : i32
        %dma_wait3A_163 = arith.constant 0 : i32
        %dma_wait3A_164 = tpu.memref_slice %arg11[%dma_wait3A_162, %dma_wait3A_163] : memref<10240x128xf32, #tpu.memory_space<vmem_shared>> -> memref<10240x128xf32, #tpu.memory_space<vmem_shared>>
        tpu.wait_indirect_dma semaphore(%run_scoped3A_152 : memref<!tpu.dma_semaphore, #tpu.memory_space<semaphore_mem>>) src(%arg9 : memref<128x128xf32, #tpu.memory_space<vmem>>) dst(%dma_wait3A_164 : memref<10240x128xf32, #tpu.memory_space<vmem_shared>>)
        tpu.yield
      }) : () -> ()
      %dma_start3A_54 = arith.constant 2 : i32
      %dma_start3A_55 = arith.constant 0 : i32
      %dma_start3A_56 = tpu.memref_slice %arg7[%dma_start3A_54, %dma_start3A_55] : memref<8x128xi32, #tpu.memory_space<vmem>> -> memref<1x128xi32, #tpu.memory_space<vmem>>
      %dma_start3A_57 = tpu.memref_squeeze %dma_start3A_56 : memref<1x128xi32, #tpu.memory_space<vmem>> -> memref<128xi32, #tpu.memory_space<vmem>>
      %dma_start3A_58 = arith.constant 0 : i32
      %dma_start3A_59 = arith.constant 0 : i32
      %dma_start3A_60 = tpu.memref_slice %arg2[%dma_start3A_58, %dma_start3A_59] : memref<40000x128xf32, #tpu.memory_space<hbm>> -> memref<40000x128xf32, #tpu.memory_space<hbm>>
      tpu.enqueue_indirect_dma source(%dma_start3A_60 : memref<40000x128xf32, #tpu.memory_space<hbm>>) target(%arg9 : memref<128x128xf32, #tpu.memory_space<vmem>>) offsets(%dma_start3A_57 : memref<128xi32, #tpu.memory_space<vmem>>) semaphore(%arg12 : memref<!tpu.dma_semaphore, #tpu.memory_space<semaphore_mem>>)
      %dma_wait3A_61 = arith.constant 0 : i32
      %dma_wait3A_62 = arith.constant 0 : i32
      %dma_wait3A_63 = tpu.memref_slice %arg7[%dma_wait3A_61, %dma_wait3A_62] : memref<8x128xi32, #tpu.memory_space<vmem>> -> memref<1x128xi32, #tpu.memory_space<vmem>>
      %dma_wait3A_64 = tpu.memref_squeeze %dma_wait3A_63 : memref<1x128xi32, #tpu.memory_space<vmem>> -> memref<128xi32, #tpu.memory_space<vmem>>
      %dma_wait3A_65 = arith.constant 0 : i32
      %dma_wait3A_66 = arith.constant 0 : i32
      %dma_wait3A_67 = tpu.memref_slice %arg2[%dma_wait3A_65, %dma_wait3A_66] : memref<40000x128xf32, #tpu.memory_space<hbm>> -> memref<40000x128xf32, #tpu.memory_space<hbm>>
      tpu.wait_indirect_dma semaphore(%arg13 : memref<!tpu.dma_semaphore, #tpu.memory_space<semaphore_mem>>) src(%dma_wait3A_67 : memref<40000x128xf32, #tpu.memory_space<hbm>>) dst(%arg10 : memref<128x128xf32, #tpu.memory_space<vmem>>)
      %run_scoped3A_68 = arith.constant 1 : i32
      "tpu.region"() ({
        %run_scoped3A_152 = tpu.sem_alloc : memref<!tpu.dma_semaphore, #tpu.memory_space<semaphore_mem>>
        %dma_start3A_153 = arith.constant 0 : i32
        %dma_start3A_154 = tpu.memref_slice %arg8[%run_scoped3A_68, %dma_start3A_153] : memref<8x128xi32, #tpu.memory_space<vmem>> -> memref<1x128xi32, #tpu.memory_space<vmem>>
        %dma_start3A_155 = tpu.memref_squeeze %dma_start3A_154 : memref<1x128xi32, #tpu.memory_space<vmem>> -> memref<128xi32, #tpu.memory_space<vmem>>
        %dma_start3A_156 = arith.constant 0 : i32
        %dma_start3A_157 = arith.constant 0 : i32
        %dma_start3A_158 = tpu.memref_slice %arg11[%dma_start3A_156, %dma_start3A_157] : memref<10240x128xf32, #tpu.memory_space<vmem_shared>> -> memref<10240x128xf32, #tpu.memory_space<vmem_shared>>
        tpu.enqueue_indirect_dma source(%arg10 : memref<128x128xf32, #tpu.memory_space<vmem>>) target(%dma_start3A_158 : memref<10240x128xf32, #tpu.memory_space<vmem_shared>>) offsets(%dma_start3A_155 : memref<128xi32, #tpu.memory_space<vmem>>) semaphore(%run_scoped3A_152 : memref<!tpu.dma_semaphore, #tpu.memory_space<semaphore_mem>>) {add = true}
        %dma_wait3A_159 = arith.constant 0 : i32
        %dma_wait3A_160 = tpu.memref_slice %arg8[%run_scoped3A_68, %dma_wait3A_159] : memref<8x128xi32, #tpu.memory_space<vmem>> -> memref<1x128xi32, #tpu.memory_space<vmem>>
        %dma_wait3A_161 = tpu.memref_squeeze %dma_wait3A_160 : memref<1x128xi32, #tpu.memory_space<vmem>> -> memref<128xi32, #tpu.memory_space<vmem>>
        %dma_wait3A_162 = arith.constant 0 : i32
        %dma_wait3A_163 = arith.constant 0 : i32
        %dma_wait3A_164 = tpu.memref_slice %arg11[%dma_wait3A_162, %dma_wait3A_163] : memref<10240x128xf32, #tpu.memory_space<vmem_shared>> -> memref<10240x128xf32, #tpu.memory_space<vmem_shared>>
        tpu.wait_indirect_dma semaphore(%run_scoped3A_152 : memref<!tpu.dma_semaphore, #tpu.memory_space<semaphore_mem>>) src(%arg10 : memref<128x128xf32, #tpu.memory_space<vmem>>) dst(%dma_wait3A_164 : memref<10240x128xf32, #tpu.memory_space<vmem_shared>>)
        tpu.yield
      }) : () -> ()
      %dma_start3A_69 = arith.constant 3 : i32
      %dma_start3A_70 = arith.constant 0 : i32
      %dma_start3A_71 = tpu.memref_slice %arg7[%dma_start3A_69, %dma_start3A_70] : memref<8x128xi32, #tpu.memory_space<vmem>> -> memref<1x128xi32, #tpu.memory_space<vmem>>
      %dma_start3A_72 = tpu.memref_squeeze %dma_start3A_71 : memref<1x128xi32, #tpu.memory_space<vmem>> -> memref<128xi32, #tpu.memory_space<vmem>>
      %dma_start3A_73 = arith.constant 0 : i32
      %dma_start3A_74 = arith.constant 0 : i32
      %dma_start3A_75 = tpu.memref_slice %arg2[%dma_start3A_73, %dma_start3A_74] : memref<40000x128xf32, #tpu.memory_space<hbm>> -> memref<40000x128xf32, #tpu.memory_space<hbm>>
      tpu.enqueue_indirect_dma source(%dma_start3A_75 : memref<40000x128xf32, #tpu.memory_space<hbm>>) target(%arg10 : memref<128x128xf32, #tpu.memory_space<vmem>>) offsets(%dma_start3A_72 : memref<128xi32, #tpu.memory_space<vmem>>) semaphore(%arg13 : memref<!tpu.dma_semaphore, #tpu.memory_space<semaphore_mem>>)
      %dma_wait3A_76 = arith.constant 0 : i32
      %dma_wait3A_77 = arith.constant 0 : i32
      %dma_wait3A_78 = tpu.memref_slice %arg7[%dma_wait3A_76, %dma_wait3A_77] : memref<8x128xi32, #tpu.memory_space<vmem>> -> memref<1x128xi32, #tpu.memory_space<vmem>>
      %dma_wait3A_79 = tpu.memref_squeeze %dma_wait3A_78 : memref<1x128xi32, #tpu.memory_space<vmem>> -> memref<128xi32, #tpu.memory_space<vmem>>
      %dma_wait3A_80 = arith.constant 0 : i32
      %dma_wait3A_81 = arith.constant 0 : i32
      %dma_wait3A_82 = tpu.memref_slice %arg2[%dma_wait3A_80, %dma_wait3A_81] : memref<40000x128xf32, #tpu.memory_space<hbm>> -> memref<40000x128xf32, #tpu.memory_space<hbm>>
      tpu.wait_indirect_dma semaphore(%arg12 : memref<!tpu.dma_semaphore, #tpu.memory_space<semaphore_mem>>) src(%dma_wait3A_82 : memref<40000x128xf32, #tpu.memory_space<hbm>>) dst(%arg9 : memref<128x128xf32, #tpu.memory_space<vmem>>)
      %run_scoped3A_83 = arith.constant 2 : i32
      "tpu.region"() ({
        %run_scoped3A_152 = tpu.sem_alloc : memref<!tpu.dma_semaphore, #tpu.memory_space<semaphore_mem>>
        %dma_start3A_153 = arith.constant 0 : i32
        %dma_start3A_154 = tpu.memref_slice %arg8[%run_scoped3A_83, %dma_start3A_153] : memref<8x128xi32, #tpu.memory_space<vmem>> -> memref<1x128xi32, #tpu.memory_space<vmem>>
        %dma_start3A_155 = tpu.memref_squeeze %dma_start3A_154 : memref<1x128xi32, #tpu.memory_space<vmem>> -> memref<128xi32, #tpu.memory_space<vmem>>
        %dma_start3A_156 = arith.constant 0 : i32
        %dma_start3A_157 = arith.constant 0 : i32
        %dma_start3A_158 = tpu.memref_slice %arg11[%dma_start3A_156, %dma_start3A_157] : memref<10240x128xf32, #tpu.memory_space<vmem_shared>> -> memref<10240x128xf32, #tpu.memory_space<vmem_shared>>
        tpu.enqueue_indirect_dma source(%arg9 : memref<128x128xf32, #tpu.memory_space<vmem>>) target(%dma_start3A_158 : memref<10240x128xf32, #tpu.memory_space<vmem_shared>>) offsets(%dma_start3A_155 : memref<128xi32, #tpu.memory_space<vmem>>) semaphore(%run_scoped3A_152 : memref<!tpu.dma_semaphore, #tpu.memory_space<semaphore_mem>>) {add = true}
        %dma_wait3A_159 = arith.constant 0 : i32
        %dma_wait3A_160 = tpu.memref_slice %arg8[%run_scoped3A_83, %dma_wait3A_159] : memref<8x128xi32, #tpu.memory_space<vmem>> -> memref<1x128xi32, #tpu.memory_space<vmem>>
        %dma_wait3A_161 = tpu.memref_squeeze %dma_wait3A_160 : memref<1x128xi32, #tpu.memory_space<vmem>> -> memref<128xi32, #tpu.memory_space<vmem>>
        %dma_wait3A_162 = arith.constant 0 : i32
        %dma_wait3A_163 = arith.constant 0 : i32
        %dma_wait3A_164 = tpu.memref_slice %arg11[%dma_wait3A_162, %dma_wait3A_163] : memref<10240x128xf32, #tpu.memory_space<vmem_shared>> -> memref<10240x128xf32, #tpu.memory_space<vmem_shared>>
        tpu.wait_indirect_dma semaphore(%run_scoped3A_152 : memref<!tpu.dma_semaphore, #tpu.memory_space<semaphore_mem>>) src(%arg9 : memref<128x128xf32, #tpu.memory_space<vmem>>) dst(%dma_wait3A_164 : memref<10240x128xf32, #tpu.memory_space<vmem_shared>>)
        tpu.yield
      }) : () -> ()
      %dma_start3A_84 = arith.constant 4 : i32
      %dma_start3A_85 = arith.constant 0 : i32
      %dma_start3A_86 = tpu.memref_slice %arg7[%dma_start3A_84, %dma_start3A_85] : memref<8x128xi32, #tpu.memory_space<vmem>> -> memref<1x128xi32, #tpu.memory_space<vmem>>
      %dma_start3A_87 = tpu.memref_squeeze %dma_start3A_86 : memref<1x128xi32, #tpu.memory_space<vmem>> -> memref<128xi32, #tpu.memory_space<vmem>>
      %dma_start3A_88 = arith.constant 0 : i32
      %dma_start3A_89 = arith.constant 0 : i32
      %dma_start3A_90 = tpu.memref_slice %arg2[%dma_start3A_88, %dma_start3A_89] : memref<40000x128xf32, #tpu.memory_space<hbm>> -> memref<40000x128xf32, #tpu.memory_space<hbm>>
      tpu.enqueue_indirect_dma source(%dma_start3A_90 : memref<40000x128xf32, #tpu.memory_space<hbm>>) target(%arg9 : memref<128x128xf32, #tpu.memory_space<vmem>>) offsets(%dma_start3A_87 : memref<128xi32, #tpu.memory_space<vmem>>) semaphore(%arg12 : memref<!tpu.dma_semaphore, #tpu.memory_space<semaphore_mem>>)
      %dma_wait3A_91 = arith.constant 0 : i32
      %dma_wait3A_92 = arith.constant 0 : i32
      %dma_wait3A_93 = tpu.memref_slice %arg7[%dma_wait3A_91, %dma_wait3A_92] : memref<8x128xi32, #tpu.memory_space<vmem>> -> memref<1x128xi32, #tpu.memory_space<vmem>>
      %dma_wait3A_94 = tpu.memref_squeeze %dma_wait3A_93 : memref<1x128xi32, #tpu.memory_space<vmem>> -> memref<128xi32, #tpu.memory_space<vmem>>
      %dma_wait3A_95 = arith.constant 0 : i32
      %dma_wait3A_96 = arith.constant 0 : i32
      %dma_wait3A_97 = tpu.memref_slice %arg2[%dma_wait3A_95, %dma_wait3A_96] : memref<40000x128xf32, #tpu.memory_space<hbm>> -> memref<40000x128xf32, #tpu.memory_space<hbm>>
      tpu.wait_indirect_dma semaphore(%arg13 : memref<!tpu.dma_semaphore, #tpu.memory_space<semaphore_mem>>) src(%dma_wait3A_97 : memref<40000x128xf32, #tpu.memory_space<hbm>>) dst(%arg10 : memref<128x128xf32, #tpu.memory_space<vmem>>)
      %run_scoped3A_98 = arith.constant 3 : i32
      "tpu.region"() ({
        %run_scoped3A_152 = tpu.sem_alloc : memref<!tpu.dma_semaphore, #tpu.memory_space<semaphore_mem>>
        %dma_start3A_153 = arith.constant 0 : i32
        %dma_start3A_154 = tpu.memref_slice %arg8[%run_scoped3A_98, %dma_start3A_153] : memref<8x128xi32, #tpu.memory_space<vmem>> -> memref<1x128xi32, #tpu.memory_space<vmem>>
        %dma_start3A_155 = tpu.memref_squeeze %dma_start3A_154 : memref<1x128xi32, #tpu.memory_space<vmem>> -> memref<128xi32, #tpu.memory_space<vmem>>
        %dma_start3A_156 = arith.constant 0 : i32
        %dma_start3A_157 = arith.constant 0 : i32
        %dma_start3A_158 = tpu.memref_slice %arg11[%dma_start3A_156, %dma_start3A_157] : memref<10240x128xf32, #tpu.memory_space<vmem_shared>> -> memref<10240x128xf32, #tpu.memory_space<vmem_shared>>
        tpu.enqueue_indirect_dma source(%arg10 : memref<128x128xf32, #tpu.memory_space<vmem>>) target(%dma_start3A_158 : memref<10240x128xf32, #tpu.memory_space<vmem_shared>>) offsets(%dma_start3A_155 : memref<128xi32, #tpu.memory_space<vmem>>) semaphore(%run_scoped3A_152 : memref<!tpu.dma_semaphore, #tpu.memory_space<semaphore_mem>>) {add = true}
        %dma_wait3A_159 = arith.constant 0 : i32
        %dma_wait3A_160 = tpu.memref_slice %arg8[%run_scoped3A_98, %dma_wait3A_159] : memref<8x128xi32, #tpu.memory_space<vmem>> -> memref<1x128xi32, #tpu.memory_space<vmem>>
        %dma_wait3A_161 = tpu.memref_squeeze %dma_wait3A_160 : memref<1x128xi32, #tpu.memory_space<vmem>> -> memref<128xi32, #tpu.memory_space<vmem>>
        %dma_wait3A_162 = arith.constant 0 : i32
        %dma_wait3A_163 = arith.constant 0 : i32
        %dma_wait3A_164 = tpu.memref_slice %arg11[%dma_wait3A_162, %dma_wait3A_163] : memref<10240x128xf32, #tpu.memory_space<vmem_shared>> -> memref<10240x128xf32, #tpu.memory_space<vmem_shared>>
        tpu.wait_indirect_dma semaphore(%run_scoped3A_152 : memref<!tpu.dma_semaphore, #tpu.memory_space<semaphore_mem>>) src(%arg10 : memref<128x128xf32, #tpu.memory_space<vmem>>) dst(%dma_wait3A_164 : memref<10240x128xf32, #tpu.memory_space<vmem_shared>>)
        tpu.yield
      }) : () -> ()
      %dma_start3A_99 = arith.constant 5 : i32
      %dma_start3A_100 = arith.constant 0 : i32
      %dma_start3A_101 = tpu.memref_slice %arg7[%dma_start3A_99, %dma_start3A_100] : memref<8x128xi32, #tpu.memory_space<vmem>> -> memref<1x128xi32, #tpu.memory_space<vmem>>
      %dma_start3A_102 = tpu.memref_squeeze %dma_start3A_101 : memref<1x128xi32, #tpu.memory_space<vmem>> -> memref<128xi32, #tpu.memory_space<vmem>>
      %dma_start3A_103 = arith.constant 0 : i32
      %dma_start3A_104 = arith.constant 0 : i32
      %dma_start3A_105 = tpu.memref_slice %arg2[%dma_start3A_103, %dma_start3A_104] : memref<40000x128xf32, #tpu.memory_space<hbm>> -> memref<40000x128xf32, #tpu.memory_space<hbm>>
      tpu.enqueue_indirect_dma source(%dma_start3A_105 : memref<40000x128xf32, #tpu.memory_space<hbm>>) target(%arg10 : memref<128x128xf32, #tpu.memory_space<vmem>>) offsets(%dma_start3A_102 : memref<128xi32, #tpu.memory_space<vmem>>) semaphore(%arg13 : memref<!tpu.dma_semaphore, #tpu.memory_space<semaphore_mem>>)
      %dma_wait3A_106 = arith.constant 0 : i32
      %dma_wait3A_107 = arith.constant 0 : i32
      %dma_wait3A_108 = tpu.memref_slice %arg7[%dma_wait3A_106, %dma_wait3A_107] : memref<8x128xi32, #tpu.memory_space<vmem>> -> memref<1x128xi32, #tpu.memory_space<vmem>>
      %dma_wait3A_109 = tpu.memref_squeeze %dma_wait3A_108 : memref<1x128xi32, #tpu.memory_space<vmem>> -> memref<128xi32, #tpu.memory_space<vmem>>
      %dma_wait3A_110 = arith.constant 0 : i32
      %dma_wait3A_111 = arith.constant 0 : i32
      %dma_wait3A_112 = tpu.memref_slice %arg2[%dma_wait3A_110, %dma_wait3A_111] : memref<40000x128xf32, #tpu.memory_space<hbm>> -> memref<40000x128xf32, #tpu.memory_space<hbm>>
      tpu.wait_indirect_dma semaphore(%arg12 : memref<!tpu.dma_semaphore, #tpu.memory_space<semaphore_mem>>) src(%dma_wait3A_112 : memref<40000x128xf32, #tpu.memory_space<hbm>>) dst(%arg9 : memref<128x128xf32, #tpu.memory_space<vmem>>)
      %run_scoped3A_113 = arith.constant 4 : i32
      "tpu.region"() ({
        %run_scoped3A_152 = tpu.sem_alloc : memref<!tpu.dma_semaphore, #tpu.memory_space<semaphore_mem>>
        %dma_start3A_153 = arith.constant 0 : i32
        %dma_start3A_154 = tpu.memref_slice %arg8[%run_scoped3A_113, %dma_start3A_153] : memref<8x128xi32, #tpu.memory_space<vmem>> -> memref<1x128xi32, #tpu.memory_space<vmem>>
        %dma_start3A_155 = tpu.memref_squeeze %dma_start3A_154 : memref<1x128xi32, #tpu.memory_space<vmem>> -> memref<128xi32, #tpu.memory_space<vmem>>
        %dma_start3A_156 = arith.constant 0 : i32
        %dma_start3A_157 = arith.constant 0 : i32
        %dma_start3A_158 = tpu.memref_slice %arg11[%dma_start3A_156, %dma_start3A_157] : memref<10240x128xf32, #tpu.memory_space<vmem_shared>> -> memref<10240x128xf32, #tpu.memory_space<vmem_shared>>
        tpu.enqueue_indirect_dma source(%arg9 : memref<128x128xf32, #tpu.memory_space<vmem>>) target(%dma_start3A_158 : memref<10240x128xf32, #tpu.memory_space<vmem_shared>>) offsets(%dma_start3A_155 : memref<128xi32, #tpu.memory_space<vmem>>) semaphore(%run_scoped3A_152 : memref<!tpu.dma_semaphore, #tpu.memory_space<semaphore_mem>>) {add = true}
        %dma_wait3A_159 = arith.constant 0 : i32
        %dma_wait3A_160 = tpu.memref_slice %arg8[%run_scoped3A_113, %dma_wait3A_159] : memref<8x128xi32, #tpu.memory_space<vmem>> -> memref<1x128xi32, #tpu.memory_space<vmem>>
        %dma_wait3A_161 = tpu.memref_squeeze %dma_wait3A_160 : memref<1x128xi32, #tpu.memory_space<vmem>> -> memref<128xi32, #tpu.memory_space<vmem>>
        %dma_wait3A_162 = arith.constant 0 : i32
        %dma_wait3A_163 = arith.constant 0 : i32
        %dma_wait3A_164 = tpu.memref_slice %arg11[%dma_wait3A_162, %dma_wait3A_163] : memref<10240x128xf32, #tpu.memory_space<vmem_shared>> -> memref<10240x128xf32, #tpu.memory_space<vmem_shared>>
        tpu.wait_indirect_dma semaphore(%run_scoped3A_152 : memref<!tpu.dma_semaphore, #tpu.memory_space<semaphore_mem>>) src(%arg9 : memref<128x128xf32, #tpu.memory_space<vmem>>) dst(%dma_wait3A_164 : memref<10240x128xf32, #tpu.memory_space<vmem_shared>>)
        tpu.yield
      }) : () -> ()
      %dma_start3A_114 = arith.constant 6 : i32
      %dma_start3A_115 = arith.constant 0 : i32
      %dma_start3A_116 = tpu.memref_slice %arg7[%dma_start3A_114, %dma_start3A_115] : memref<8x128xi32, #tpu.memory_space<vmem>> -> memref<1x128xi32, #tpu.memory_space<vmem>>
      %dma_start3A_117 = tpu.memref_squeeze %dma_start3A_116 : memref<1x128xi32, #tpu.memory_space<vmem>> -> memref<128xi32, #tpu.memory_space<vmem>>
      %dma_start3A_118 = arith.constant 0 : i32
      %dma_start3A_119 = arith.constant 0 : i32
      %dma_start3A_120 = tpu.memref_slice %arg2[%dma_start3A_118, %dma_start3A_119] : memref<40000x128xf32, #tpu.memory_space<hbm>> -> memref<40000x128xf32, #tpu.memory_space<hbm>>
      tpu.enqueue_indirect_dma source(%dma_start3A_120 : memref<40000x128xf32, #tpu.memory_space<hbm>>) target(%arg9 : memref<128x128xf32, #tpu.memory_space<vmem>>) offsets(%dma_start3A_117 : memref<128xi32, #tpu.memory_space<vmem>>) semaphore(%arg12 : memref<!tpu.dma_semaphore, #tpu.memory_space<semaphore_mem>>)
      %dma_wait3A_121 = arith.constant 0 : i32
      %dma_wait3A_122 = arith.constant 0 : i32
      %dma_wait3A_123 = tpu.memref_slice %arg7[%dma_wait3A_121, %dma_wait3A_122] : memref<8x128xi32, #tpu.memory_space<vmem>> -> memref<1x128xi32, #tpu.memory_space<vmem>>
      %dma_wait3A_124 = tpu.memref_squeeze %dma_wait3A_123 : memref<1x128xi32, #tpu.memory_space<vmem>> -> memref<128xi32, #tpu.memory_space<vmem>>
      %dma_wait3A_125 = arith.constant 0 : i32
      %dma_wait3A_126 = arith.constant 0 : i32
      %dma_wait3A_127 = tpu.memref_slice %arg2[%dma_wait3A_125, %dma_wait3A_126] : memref<40000x128xf32, #tpu.memory_space<hbm>> -> memref<40000x128xf32, #tpu.memory_space<hbm>>
      tpu.wait_indirect_dma semaphore(%arg13 : memref<!tpu.dma_semaphore, #tpu.memory_space<semaphore_mem>>) src(%dma_wait3A_127 : memref<40000x128xf32, #tpu.memory_space<hbm>>) dst(%arg10 : memref<128x128xf32, #tpu.memory_space<vmem>>)
      %run_scoped3A_128 = arith.constant 5 : i32
      "tpu.region"() ({
        %run_scoped3A_152 = tpu.sem_alloc : memref<!tpu.dma_semaphore, #tpu.memory_space<semaphore_mem>>
        %dma_start3A_153 = arith.constant 0 : i32
        %dma_start3A_154 = tpu.memref_slice %arg8[%run_scoped3A_128, %dma_start3A_153] : memref<8x128xi32, #tpu.memory_space<vmem>> -> memref<1x128xi32, #tpu.memory_space<vmem>>
        %dma_start3A_155 = tpu.memref_squeeze %dma_start3A_154 : memref<1x128xi32, #tpu.memory_space<vmem>> -> memref<128xi32, #tpu.memory_space<vmem>>
        %dma_start3A_156 = arith.constant 0 : i32
        %dma_start3A_157 = arith.constant 0 : i32
        %dma_start3A_158 = tpu.memref_slice %arg11[%dma_start3A_156, %dma_start3A_157] : memref<10240x128xf32, #tpu.memory_space<vmem_shared>> -> memref<10240x128xf32, #tpu.memory_space<vmem_shared>>
        tpu.enqueue_indirect_dma source(%arg10 : memref<128x128xf32, #tpu.memory_space<vmem>>) target(%dma_start3A_158 : memref<10240x128xf32, #tpu.memory_space<vmem_shared>>) offsets(%dma_start3A_155 : memref<128xi32, #tpu.memory_space<vmem>>) semaphore(%run_scoped3A_152 : memref<!tpu.dma_semaphore, #tpu.memory_space<semaphore_mem>>) {add = true}
        %dma_wait3A_159 = arith.constant 0 : i32
        %dma_wait3A_160 = tpu.memref_slice %arg8[%run_scoped3A_128, %dma_wait3A_159] : memref<8x128xi32, #tpu.memory_space<vmem>> -> memref<1x128xi32, #tpu.memory_space<vmem>>
        %dma_wait3A_161 = tpu.memref_squeeze %dma_wait3A_160 : memref<1x128xi32, #tpu.memory_space<vmem>> -> memref<128xi32, #tpu.memory_space<vmem>>
        %dma_wait3A_162 = arith.constant 0 : i32
        %dma_wait3A_163 = arith.constant 0 : i32
        %dma_wait3A_164 = tpu.memref_slice %arg11[%dma_wait3A_162, %dma_wait3A_163] : memref<10240x128xf32, #tpu.memory_space<vmem_shared>> -> memref<10240x128xf32, #tpu.memory_space<vmem_shared>>
        tpu.wait_indirect_dma semaphore(%run_scoped3A_152 : memref<!tpu.dma_semaphore, #tpu.memory_space<semaphore_mem>>) src(%arg10 : memref<128x128xf32, #tpu.memory_space<vmem>>) dst(%dma_wait3A_164 : memref<10240x128xf32, #tpu.memory_space<vmem_shared>>)
        tpu.yield
      }) : () -> ()
      %dma_start3A_129 = arith.constant 7 : i32
      %dma_start3A_130 = arith.constant 0 : i32
      %dma_start3A_131 = tpu.memref_slice %arg7[%dma_start3A_129, %dma_start3A_130] : memref<8x128xi32, #tpu.memory_space<vmem>> -> memref<1x128xi32, #tpu.memory_space<vmem>>
      %dma_start3A_132 = tpu.memref_squeeze %dma_start3A_131 : memref<1x128xi32, #tpu.memory_space<vmem>> -> memref<128xi32, #tpu.memory_space<vmem>>
      %dma_start3A_133 = arith.constant 0 : i32
      %dma_start3A_134 = arith.constant 0 : i32
      %dma_start3A_135 = tpu.memref_slice %arg2[%dma_start3A_133, %dma_start3A_134] : memref<40000x128xf32, #tpu.memory_space<hbm>> -> memref<40000x128xf32, #tpu.memory_space<hbm>>
      tpu.enqueue_indirect_dma source(%dma_start3A_135 : memref<40000x128xf32, #tpu.memory_space<hbm>>) target(%arg10 : memref<128x128xf32, #tpu.memory_space<vmem>>) offsets(%dma_start3A_132 : memref<128xi32, #tpu.memory_space<vmem>>) semaphore(%arg13 : memref<!tpu.dma_semaphore, #tpu.memory_space<semaphore_mem>>)
      %dma_wait3A_136 = arith.constant 0 : i32
      %dma_wait3A_137 = arith.constant 0 : i32
      %dma_wait3A_138 = tpu.memref_slice %arg7[%dma_wait3A_136, %dma_wait3A_137] : memref<8x128xi32, #tpu.memory_space<vmem>> -> memref<1x128xi32, #tpu.memory_space<vmem>>
      %dma_wait3A_139 = tpu.memref_squeeze %dma_wait3A_138 : memref<1x128xi32, #tpu.memory_space<vmem>> -> memref<128xi32, #tpu.memory_space<vmem>>
      %dma_wait3A_140 = arith.constant 0 : i32
      %dma_wait3A_141 = arith.constant 0 : i32
      %dma_wait3A_142 = tpu.memref_slice %arg2[%dma_wait3A_140, %dma_wait3A_141] : memref<40000x128xf32, #tpu.memory_space<hbm>> -> memref<40000x128xf32, #tpu.memory_space<hbm>>
      tpu.wait_indirect_dma semaphore(%arg12 : memref<!tpu.dma_semaphore, #tpu.memory_space<semaphore_mem>>) src(%dma_wait3A_142 : memref<40000x128xf32, #tpu.memory_space<hbm>>) dst(%arg9 : memref<128x128xf32, #tpu.memory_space<vmem>>)
      %run_scoped3A_143 = arith.constant 6 : i32
      "tpu.region"() ({
        %run_scoped3A_152 = tpu.sem_alloc : memref<!tpu.dma_semaphore, #tpu.memory_space<semaphore_mem>>
        %dma_start3A_153 = arith.constant 0 : i32
        %dma_start3A_154 = tpu.memref_slice %arg8[%run_scoped3A_143, %dma_start3A_153] : memref<8x128xi32, #tpu.memory_space<vmem>> -> memref<1x128xi32, #tpu.memory_space<vmem>>
        %dma_start3A_155 = tpu.memref_squeeze %dma_start3A_154 : memref<1x128xi32, #tpu.memory_space<vmem>> -> memref<128xi32, #tpu.memory_space<vmem>>
        %dma_start3A_156 = arith.constant 0 : i32
        %dma_start3A_157 = arith.constant 0 : i32
        %dma_start3A_158 = tpu.memref_slice %arg11[%dma_start3A_156, %dma_start3A_157] : memref<10240x128xf32, #tpu.memory_space<vmem_shared>> -> memref<10240x128xf32, #tpu.memory_space<vmem_shared>>
        tpu.enqueue_indirect_dma source(%arg9 : memref<128x128xf32, #tpu.memory_space<vmem>>) target(%dma_start3A_158 : memref<10240x128xf32, #tpu.memory_space<vmem_shared>>) offsets(%dma_start3A_155 : memref<128xi32, #tpu.memory_space<vmem>>) semaphore(%run_scoped3A_152 : memref<!tpu.dma_semaphore, #tpu.memory_space<semaphore_mem>>) {add = true}
        %dma_wait3A_159 = arith.constant 0 : i32
        %dma_wait3A_160 = tpu.memref_slice %arg8[%run_scoped3A_143, %dma_wait3A_159] : memref<8x128xi32, #tpu.memory_space<vmem>> -> memref<1x128xi32, #tpu.memory_space<vmem>>
        %dma_wait3A_161 = tpu.memref_squeeze %dma_wait3A_160 : memref<1x128xi32, #tpu.memory_space<vmem>> -> memref<128xi32, #tpu.memory_space<vmem>>
        %dma_wait3A_162 = arith.constant 0 : i32
        %dma_wait3A_163 = arith.constant 0 : i32
        %dma_wait3A_164 = tpu.memref_slice %arg11[%dma_wait3A_162, %dma_wait3A_163] : memref<10240x128xf32, #tpu.memory_space<vmem_shared>> -> memref<10240x128xf32, #tpu.memory_space<vmem_shared>>
        tpu.wait_indirect_dma semaphore(%run_scoped3A_152 : memref<!tpu.dma_semaphore, #tpu.memory_space<semaphore_mem>>) src(%arg9 : memref<128x128xf32, #tpu.memory_space<vmem>>) dst(%dma_wait3A_164 : memref<10240x128xf32, #tpu.memory_space<vmem_shared>>)
        tpu.yield
      }) : () -> ()
      %dma_wait3A_144 = arith.constant 0 : i32
      %dma_wait3A_145 = arith.constant 0 : i32
      %dma_wait3A_146 = tpu.memref_slice %arg7[%dma_wait3A_144, %dma_wait3A_145] : memref<8x128xi32, #tpu.memory_space<vmem>> -> memref<1x128xi32, #tpu.memory_space<vmem>>
      %dma_wait3A_147 = tpu.memref_squeeze %dma_wait3A_146 : memref<1x128xi32, #tpu.memory_space<vmem>> -> memref<128xi32, #tpu.memory_space<vmem>>
      %dma_wait3A_148 = arith.constant 0 : i32
      %dma_wait3A_149 = arith.constant 0 : i32
      %dma_wait3A_150 = tpu.memref_slice %arg2[%dma_wait3A_148, %dma_wait3A_149] : memref<40000x128xf32, #tpu.memory_space<hbm>> -> memref<40000x128xf32, #tpu.memory_space<hbm>>
      tpu.wait_indirect_dma semaphore(%arg13 : memref<!tpu.dma_semaphore, #tpu.memory_space<semaphore_mem>>) src(%dma_wait3A_150 : memref<40000x128xf32, #tpu.memory_space<hbm>>) dst(%arg10 : memref<128x128xf32, #tpu.memory_space<vmem>>)
      %run_scoped3A_151 = arith.constant 7 : i32
      "tpu.region"() ({
        %run_scoped3A_152 = tpu.sem_alloc : memref<!tpu.dma_semaphore, #tpu.memory_space<semaphore_mem>>
        %dma_start3A_153 = arith.constant 0 : i32
        %dma_start3A_154 = tpu.memref_slice %arg8[%run_scoped3A_151, %dma_start3A_153] : memref<8x128xi32, #tpu.memory_space<vmem>> -> memref<1x128xi32, #tpu.memory_space<vmem>>
        %dma_start3A_155 = tpu.memref_squeeze %dma_start3A_154 : memref<1x128xi32, #tpu.memory_space<vmem>> -> memref<128xi32, #tpu.memory_space<vmem>>
        %dma_start3A_156 = arith.constant 0 : i32
        %dma_start3A_157 = arith.constant 0 : i32
        %dma_start3A_158 = tpu.memref_slice %arg11[%dma_start3A_156, %dma_start3A_157] : memref<10240x128xf32, #tpu.memory_space<vmem_shared>> -> memref<10240x128xf32, #tpu.memory_space<vmem_shared>>
        tpu.enqueue_indirect_dma source(%arg10 : memref<128x128xf32, #tpu.memory_space<vmem>>) target(%dma_start3A_158 : memref<10240x128xf32, #tpu.memory_space<vmem_shared>>) offsets(%dma_start3A_155 : memref<128xi32, #tpu.memory_space<vmem>>) semaphore(%run_scoped3A_152 : memref<!tpu.dma_semaphore, #tpu.memory_space<semaphore_mem>>) {add = true}
        %dma_wait3A_159 = arith.constant 0 : i32
        %dma_wait3A_160 = tpu.memref_slice %arg8[%run_scoped3A_151, %dma_wait3A_159] : memref<8x128xi32, #tpu.memory_space<vmem>> -> memref<1x128xi32, #tpu.memory_space<vmem>>
        %dma_wait3A_161 = tpu.memref_squeeze %dma_wait3A_160 : memref<1x128xi32, #tpu.memory_space<vmem>> -> memref<128xi32, #tpu.memory_space<vmem>>
        %dma_wait3A_162 = arith.constant 0 : i32
        %dma_wait3A_163 = arith.constant 0 : i32
        %dma_wait3A_164 = tpu.memref_slice %arg11[%dma_wait3A_162, %dma_wait3A_163] : memref<10240x128xf32, #tpu.memory_space<vmem_shared>> -> memref<10240x128xf32, #tpu.memory_space<vmem_shared>>
        tpu.wait_indirect_dma semaphore(%run_scoped3A_152 : memref<!tpu.dma_semaphore, #tpu.memory_space<semaphore_mem>>) src(%arg10 : memref<128x128xf32, #tpu.memory_space<vmem>>) dst(%dma_wait3A_164 : memref<10240x128xf32, #tpu.memory_space<vmem_shared>>)
        tpu.yield
      }) : () -> ()
    }
    %scan3A_27 = arith.constant 10 : i32
    %barrier3A_28 = arith.constant 0 : index
    tpu.barrier barrier_id(%barrier3A_28)
    %mul3A_29 = arith.constant 640 : i32
    %mul3A_30 = arith.muli %arg1, %mul3A_29 : i32
    %mul3A_31 = arith.constant 640 : i32
    %mul3A_32 = arith.muli %arg1, %mul3A_31 : i32
    "tpu.region"() ({
      %run_scoped3A = tpu.sem_alloc : memref<!tpu.dma_semaphore, #tpu.memory_space<semaphore_mem>>
      %dma_start3A = arith.constant 0 : i32
      %dma_start3A_34 = tpu.memref_slice %arg6[%add3A_18, %mul3A_32, %dma_start3A] : memref<4x10240x128xf32, #tpu.memory_space<hbm>> -> memref<1x640x128xf32, #tpu.memory_space<hbm>>
      %dma_start3A_35 = tpu.memref_squeeze %dma_start3A_34 : memref<1x640x128xf32, #tpu.memory_space<hbm>> -> memref<640x128xf32, #tpu.memory_space<hbm>>
      %dma_start3A_36 = arith.constant 0 : i32
      %dma_start3A_37 = tpu.memref_slice %arg11[%mul3A_30, %dma_start3A_36] : memref<10240x128xf32, #tpu.memory_space<vmem_shared>> -> memref<640x128xf32, #tpu.memory_space<vmem_shared>>
      tpu.enqueue_dma source(%dma_start3A_37 : memref<640x128xf32, #tpu.memory_space<vmem_shared>>) target(%dma_start3A_35 : memref<640x128xf32, #tpu.memory_space<hbm>>) target_semaphore(%run_scoped3A : memref<!tpu.dma_semaphore, #tpu.memory_space<semaphore_mem>>)
      %dma_wait3A = arith.constant 0 : i32
      %dma_wait3A_38 = tpu.memref_slice %arg6[%add3A_18, %mul3A_32, %dma_wait3A] : memref<4x10240x128xf32, #tpu.memory_space<hbm>> -> memref<1x640x128xf32, #tpu.memory_space<hbm>>
      %dma_wait3A_39 = tpu.memref_squeeze %dma_wait3A_38 : memref<1x640x128xf32, #tpu.memory_space<hbm>> -> memref<640x128xf32, #tpu.memory_space<hbm>>
      %dma_wait3A_40 = arith.constant 0 : i32
      %dma_wait3A_41 = tpu.memref_slice %arg11[%mul3A_30, %dma_wait3A_40] : memref<10240x128xf32, #tpu.memory_space<vmem_shared>> -> memref<640x128xf32, #tpu.memory_space<vmem_shared>>
      tpu.wait_dma2 semaphore(%run_scoped3A : memref<!tpu.dma_semaphore, #tpu.memory_space<semaphore_mem>>) src(%dma_wait3A_41 : memref<640x128xf32, #tpu.memory_space<vmem_shared>>) dst(%dma_wait3A_39 : memref<640x128xf32, #tpu.memory_space<hbm>>)
      tpu.yield
    }) : () -> ()
    %barrier3A_33 = arith.constant 0 : index
    tpu.barrier barrier_id(%barrier3A_33)
    return
  }
}

module attributes {stable_mosaic.version = 14 : i64} {
  func.func @_gtab_body(%arg0: i32, %arg1: memref<2000x256xf32, #tpu.memory_space<vmem>>, %arg2: memref<4x2000x128xf32, #tpu.memory_space<vmem>>) attributes {dimension_semantics = [#tpu.dimension_semantics<arbitrary>], iteration_bounds = array<i64: 5>, scalar_prefetch = 0 : i64, scratch_operands = 0 : i64, tpu.core_type = #tpu.core_type<tc>, window_params = [{transform_indices = @transform_0, window_bounds = array<i64: 2000, 256>}, {transform_indices = @transform_1, window_bounds = array<i64: 4, 2000, 128>}]} {
    %get3A = arith.constant 0 : index
    %get3A_0 = arith.constant 0 : index
    %get3A_1 = vector.load %arg1[%get3A, %get3A_0] : memref<2000x256xf32, #tpu.memory_space<vmem>>, vector<2000x256xf32>
    %max3A = arith.constant 0.000000e+00 : f32
    %max3A_2 = vector.broadcast %max3A : f32 to vector<2000x256xf32>
    %max3A_3 = arith.maximumf %get3A_1, %max3A_2 : vector<2000x256xf32>
    %add3A = arith.constant 1.000000e-07 : f32
    %add3A_4 = vector.broadcast %add3A : f32 to vector<2000x256xf32>
    %add3A_5 = arith.addf %max3A_3, %add3A_4 : vector<2000x256xf32>
    %exp3A = math.exp %add3A_5 : vector<2000x256xf32>
    %mul3A = arith.mulf %add3A_5, %exp3A : vector<2000x256xf32>
    %slice3A = vector.extract_strided_slice %exp3A {offsets = [0, 0], sizes = [2000, 128], strides = [1, 1]} : vector<2000x256xf32> to vector<2000x128xf32>
    %swap3A = arith.constant 0 : index
    %swap3A_6 = arith.constant 0 : index
    %swap3A_7 = arith.constant 0 : index
    %swap3A_8 = vector.load %arg2[%swap3A, %swap3A_6, %swap3A_7] : memref<4x2000x128xf32, #tpu.memory_space<vmem>>, vector<1x2000x128xf32>
    %swap3A_9 = vector.shape_cast %swap3A_8 : vector<1x2000x128xf32> to vector<2000x128xf32>
    %swap3A_10 = vector.shape_cast %slice3A : vector<2000x128xf32> to vector<1x2000x128xf32>
    tpu.vector_store %arg2[%swap3A, %swap3A_6, %swap3A_7], %swap3A_10 {strides = array<i32>} : memref<4x2000x128xf32, #tpu.memory_space<vmem>>, vector<1x2000x128xf32>,
    %slice3A_11 = vector.extract_strided_slice %exp3A {offsets = [0, 128], sizes = [2000, 128], strides = [1, 1]} : vector<2000x256xf32> to vector<2000x128xf32>
    %swap3A_12 = arith.constant 1 : index
    %swap3A_13 = arith.constant 0 : index
    %swap3A_14 = arith.constant 0 : index
    %swap3A_15 = vector.load %arg2[%swap3A_12, %swap3A_13, %swap3A_14] : memref<4x2000x128xf32, #tpu.memory_space<vmem>>, vector<1x2000x128xf32>
    %swap3A_16 = vector.shape_cast %swap3A_15 : vector<1x2000x128xf32> to vector<2000x128xf32>
    %swap3A_17 = vector.shape_cast %slice3A_11 : vector<2000x128xf32> to vector<1x2000x128xf32>
    tpu.vector_store %arg2[%swap3A_12, %swap3A_13, %swap3A_14], %swap3A_17 {strides = array<i32>} : memref<4x2000x128xf32, #tpu.memory_space<vmem>>, vector<1x2000x128xf32>,
    %slice3A_18 = vector.extract_strided_slice %mul3A {offsets = [0, 0], sizes = [2000, 128], strides = [1, 1]} : vector<2000x256xf32> to vector<2000x128xf32>
    %swap3A_19 = arith.constant 2 : index
    %swap3A_20 = arith.constant 0 : index
    %swap3A_21 = arith.constant 0 : index
    %swap3A_22 = vector.load %arg2[%swap3A_19, %swap3A_20, %swap3A_21] : memref<4x2000x128xf32, #tpu.memory_space<vmem>>, vector<1x2000x128xf32>
    %swap3A_23 = vector.shape_cast %swap3A_22 : vector<1x2000x128xf32> to vector<2000x128xf32>
    %swap3A_24 = vector.shape_cast %slice3A_18 : vector<2000x128xf32> to vector<1x2000x128xf32>
    tpu.vector_store %arg2[%swap3A_19, %swap3A_20, %swap3A_21], %swap3A_24 {strides = array<i32>} : memref<4x2000x128xf32, #tpu.memory_space<vmem>>, vector<1x2000x128xf32>,
    %slice3A_25 = vector.extract_strided_slice %mul3A {offsets = [0, 128], sizes = [2000, 128], strides = [1, 1]} : vector<2000x256xf32> to vector<2000x128xf32>
    %swap3A_26 = arith.constant 3 : index
    %swap3A_27 = arith.constant 0 : index
    %swap3A_28 = arith.constant 0 : index
    %swap3A_29 = vector.load %arg2[%swap3A_26, %swap3A_27, %swap3A_28] : memref<4x2000x128xf32, #tpu.memory_space<vmem>>, vector<1x2000x128xf32>
    %swap3A_30 = vector.shape_cast %swap3A_29 : vector<1x2000x128xf32> to vector<2000x128xf32>
    %swap3A_31 = vector.shape_cast %slice3A_25 : vector<2000x128xf32> to vector<1x2000x128xf32>
    tpu.vector_store %arg2[%swap3A_26, %swap3A_27, %swap3A_28], %swap3A_31 {strides = array<i32>} : memref<4x2000x128xf32, #tpu.memory_space<vmem>>, vector<1x2000x128xf32>,
    return
  }
  func.func @transform_0(%arg0: i32) -> (i32, i32) {
    %c0_i32 = arith.constant 0 : i32
    %c0_i32_0 = arith.constant 0 : i32
    return %arg0, %c0_i32 : i32, i32
  }
  func.func @transform_1(%arg0: i32) -> (i32, i32, i32) {
    %c0_i32 = arith.constant 0 : i32
    %c0_i32_0 = arith.constant 0 : i32
    %c0_i32_1 = arith.constant 0 : i32
    return %c0_i32, %arg0, %c0_i32_0 : i32, i32, i32
  }
}

module attributes {stable_mosaic.version = 14 : i64} {
  func.func @_mlp1_body(%arg0: i32, %arg1: memref<4x2000x128xf32, #tpu.memory_space<vmem>>, %arg2: memref<2000x256xf32, #tpu.memory_space<vmem>>, %arg3: memref<256x512xf32, #tpu.memory_space<vmem>>, %arg4: memref<1x512xf32, #tpu.memory_space<vmem>>, %arg5: memref<2000x512xf32, #tpu.memory_space<vmem>>, %arg6: memref<8x512xf32, #tpu.memory_space<vmem>>) attributes {dimension_semantics = [#tpu.dimension_semantics<arbitrary>], iteration_bounds = array<i64: 5>, scalar_prefetch = 0 : i64, scratch_operands = 0 : i64, tpu.core_type = #tpu.core_type<tc>, window_params = [{transform_indices = @transform_0, window_bounds = array<i64: 4, 2000, 128>}, {transform_indices = @transform_1, window_bounds = array<i64: 2000, 256>}, {pipeline_mode = #tpu.pipeline_mode<synchronous>, transform_indices = @transform_2, window_bounds = array<i64: 256, 512>}, {pipeline_mode = #tpu.pipeline_mode<synchronous>, transform_indices = @transform_3, window_bounds = array<i64: 1, 512>}, {transform_indices = @transform_4, window_bounds = array<i64: 2000, 512>}, {pipeline_mode = #tpu.pipeline_mode<synchronous>, transform_indices = @transform_5, window_bounds = array<i64: 8, 512>}]} {
    %get3A = arith.constant 0 : index
    %get3A_0 = arith.constant 0 : index
    %get3A_1 = arith.constant 0 : index
    %get3A_2 = vector.load %arg1[%get3A, %get3A_0, %get3A_1] : memref<4x2000x128xf32, #tpu.memory_space<vmem>>, vector<4x2000x128xf32>
    %slice3A = vector.extract_strided_slice %get3A_2 {offsets = [0, 0, 0], sizes = [1, 2000, 128], strides = [1, 1, 1]} : vector<4x2000x128xf32> to vector<1x2000x128xf32>
    %squeeze3A = vector.shape_cast %slice3A : vector<1x2000x128xf32> to vector<2000x128xf32>
    %slice3A_3 = vector.extract_strided_slice %get3A_2 {offsets = [1, 0, 0], sizes = [1, 2000, 128], strides = [1, 1, 1]} : vector<4x2000x128xf32> to vector<1x2000x128xf32>
    %squeeze3A_4 = vector.shape_cast %slice3A_3 : vector<1x2000x128xf32> to vector<2000x128xf32>
    %concatenate3A = tpu.concatenate %squeeze3A, %squeeze3A_4 in 1 : vector<2000x128xf32>, vector<2000x128xf32> -> vector<2000x256xf32>
    %slice3A_5 = vector.extract_strided_slice %get3A_2 {offsets = [2, 0, 0], sizes = [1, 2000, 128], strides = [1, 1, 1]} : vector<4x2000x128xf32> to vector<1x2000x128xf32>
    %squeeze3A_6 = vector.shape_cast %slice3A_5 : vector<1x2000x128xf32> to vector<2000x128xf32>
    %slice3A_7 = vector.extract_strided_slice %get3A_2 {offsets = [3, 0, 0], sizes = [1, 2000, 128], strides = [1, 1, 1]} : vector<4x2000x128xf32> to vector<1x2000x128xf32>
    %squeeze3A_8 = vector.shape_cast %slice3A_7 : vector<1x2000x128xf32> to vector<2000x128xf32>
    %concatenate3A_9 = tpu.concatenate %squeeze3A_6, %squeeze3A_8 in 1 : vector<2000x128xf32>, vector<2000x128xf32> -> vector<2000x256xf32>
    %add3A = arith.constant 1.000000e-16 : f32
    %add3A_10 = vector.broadcast %add3A : f32 to vector<2000x256xf32>
    %add3A_11 = arith.addf %concatenate3A, %add3A_10 : vector<2000x256xf32>
    %div3A = arith.divf %concatenate3A_9, %add3A_11 : vector<2000x256xf32>
    %get3A_12 = arith.constant 0 : index
    %get3A_13 = arith.constant 0 : index
    %get3A_14 = vector.load %arg2[%get3A_12, %get3A_13] : memref<2000x256xf32, #tpu.memory_space<vmem>>, vector<2000x256xf32>
    %add3A_15 = arith.addf %div3A, %get3A_14 : vector<2000x256xf32>
    %get3A_16 = arith.constant 0 : index
    %get3A_17 = arith.constant 0 : index
    %get3A_18 = vector.load %arg3[%get3A_16, %get3A_17] : memref<256x512xf32, #tpu.memory_space<vmem>>, vector<256x512xf32>
    %dot_general3A = arith.constant dense<0.000000e+00> : vector<2000x512xf32>
    %dot_general3A_19 = tpu.matmul %add3A_15, %get3A_18, %dot_general3A {dimension_numbers = #tpu.dot_dimension_numbers<[1], [0], [0], [1], [0, 0, 1, 1], [], []>, transpose_lhs_hint = false} : vector<2000x256xf32>, vector<256x512xf32>, vector<2000x512xf32> -> vector<2000x512xf32>
    %get3A_20 = arith.constant 0 : index
    %get3A_21 = arith.constant 0 : index
    %get3A_22 = vector.load %arg4[%get3A_20, %get3A_21] : memref<1x512xf32, #tpu.memory_space<vmem>>, vector<1x512xf32>
    %add3A_23 = vector.broadcast %get3A_22 : vector<1x512xf32> to vector<2000x512xf32>
    %add3A_24 = arith.addf %dot_general3A_19, %add3A_23 : vector<2000x512xf32>
    %swap3A = arith.constant 0 : index
    %swap3A_25 = arith.constant 0 : index
    %swap3A_26 = vector.load %arg5[%swap3A, %swap3A_25] : memref<2000x512xf32, #tpu.memory_space<vmem>>, vector<2000x512xf32>
    tpu.vector_store %arg5[%swap3A, %swap3A_25], %add3A_24 {strides = array<i32>} : memref<2000x512xf32, #tpu.memory_space<vmem>>, vector<2000x512xf32>,
    %eq3A = arith.constant 0 : i32
    %eq3A_27 = arith.cmpi eq, %arg0, %eq3A : i32
    %convert_element_type3A = arith.extui %eq3A_27 : i1 to i32
    %cond3A = arith.constant 0 : i32
    %cond3A_28 = arith.cmpi ne, %convert_element_type3A, %cond3A : i32
    scf.if %cond3A_28 {
      %broadcast_in_dim3A_47 = arith.constant 0.000000e+00 : f32
      %broadcast_in_dim3A_48 = vector.broadcast %broadcast_in_dim3A_47 : f32 to vector<8x512xf32>
      %swap3A_49 = arith.constant 0 : index
      %swap3A_50 = arith.constant 0 : index
      %swap3A_51 = vector.load %arg6[%swap3A_49, %swap3A_50] : memref<8x512xf32, #tpu.memory_space<vmem>>, vector<8x512xf32>
      tpu.vector_store %arg6[%swap3A_49, %swap3A_50], %broadcast_in_dim3A_48 {strides = array<i32>} : memref<8x512xf32, #tpu.memory_space<vmem>>, vector<8x512xf32>,
    } else {
    }
    %get3A_29 = arith.constant 0 : index
    %get3A_30 = arith.constant 0 : index
    %get3A_31 = vector.load %arg6[%get3A_29, %get3A_30] : memref<8x512xf32, #tpu.memory_space<vmem>>, vector<1x512xf32>
    %reduce_sum3A = arith.constant dense<0.000000e+00> : vector<512xf32>
    %reduce_sum3A_32 = vector.multi_reduction <add>, %add3A_24, %reduce_sum3A [0] : vector<2000x512xf32> to vector<512xf32>
    %broadcast_in_dim3A = vector.shape_cast %reduce_sum3A_32 : vector<512xf32> to vector<1x512xf32>
    %add3A_33 = arith.addf %get3A_31, %broadcast_in_dim3A : vector<1x512xf32>
    %swap3A_34 = arith.constant 0 : index
    %swap3A_35 = arith.constant 0 : index
    %swap3A_36 = vector.load %arg6[%swap3A_34, %swap3A_35] : memref<8x512xf32, #tpu.memory_space<vmem>>, vector<1x512xf32>
    tpu.vector_store %arg6[%swap3A_34, %swap3A_35], %add3A_33 {strides = array<i32>} : memref<8x512xf32, #tpu.memory_space<vmem>>, vector<1x512xf32>,
    %get3A_37 = arith.constant 1 : index
    %get3A_38 = arith.constant 0 : index
    %get3A_39 = vector.load %arg6[%get3A_37, %get3A_38] : memref<8x512xf32, #tpu.memory_space<vmem>>, vector<1x512xf32>
    %mul3A = arith.mulf %add3A_24, %add3A_24 : vector<2000x512xf32>
    %reduce_sum3A_40 = arith.constant dense<0.000000e+00> : vector<512xf32>
    %reduce_sum3A_41 = vector.multi_reduction <add>, %mul3A, %reduce_sum3A_40 [0] : vector<2000x512xf32> to vector<512xf32>
    %broadcast_in_dim3A_42 = vector.shape_cast %reduce_sum3A_41 : vector<512xf32> to vector<1x512xf32>
    %add3A_43 = arith.addf %get3A_39, %broadcast_in_dim3A_42 : vector<1x512xf32>
    %swap3A_44 = arith.constant 1 : index
    %swap3A_45 = arith.constant 0 : index
    %swap3A_46 = vector.load %arg6[%swap3A_44, %swap3A_45] : memref<8x512xf32, #tpu.memory_space<vmem>>, vector<1x512xf32>
    tpu.vector_store %arg6[%swap3A_44, %swap3A_45], %add3A_43 {strides = array<i32>} : memref<8x512xf32, #tpu.memory_space<vmem>>, vector<1x512xf32>,
    return
  }
  func.func @transform_0(%arg0: i32) -> (i32, i32, i32) {
    %c0_i32 = arith.constant 0 : i32
    %c0_i32_0 = arith.constant 0 : i32
    %c0_i32_1 = arith.constant 0 : i32
    return %c0_i32, %arg0, %c0_i32_0 : i32, i32, i32
  }
  func.func @transform_1(%arg0: i32) -> (i32, i32) {
    %c0_i32 = arith.constant 0 : i32
    %c0_i32_0 = arith.constant 0 : i32
    return %arg0, %c0_i32 : i32, i32
  }
  func.func @transform_2(%arg0: i32) -> (i32, i32) {
    %c0_i32 = arith.constant 0 : i32
    %c0_i32_0 = arith.constant 0 : i32
    %c0_i32_1 = arith.constant 0 : i32
    return %c0_i32, %c0_i32_0 : i32, i32
  }
  func.func @transform_3(%arg0: i32) -> (i32, i32) {
    %c0_i32 = arith.constant 0 : i32
    %c0_i32_0 = arith.constant 0 : i32
    %c0_i32_1 = arith.constant 0 : i32
    return %c0_i32, %c0_i32_0 : i32, i32
  }
  func.func @transform_4(%arg0: i32) -> (i32, i32) {
    %c0_i32 = arith.constant 0 : i32
    %c0_i32_0 = arith.constant 0 : i32
    return %arg0, %c0_i32 : i32, i32
  }
  func.func @transform_5(%arg0: i32) -> (i32, i32) {
    %c0_i32 = arith.constant 0 : i32
    %c0_i32_0 = arith.constant 0 : i32
    %c0_i32_1 = arith.constant 0 : i32
    return %c0_i32, %c0_i32_0 : i32, i32
  }
}

module attributes {stable_mosaic.version = 14 : i64} {
  func.func @_mlp2_body(%arg0: i32, %arg1: memref<2000x512xf32, #tpu.memory_space<vmem>>, %arg2: memref<8x512xf32, #tpu.memory_space<vmem>>, %arg3: memref<1x512xf32, #tpu.memory_space<vmem>>, %arg4: memref<1x512xf32, #tpu.memory_space<vmem>>, %arg5: memref<512x256xf32, #tpu.memory_space<vmem>>, %arg6: memref<1x256xf32, #tpu.memory_space<vmem>>, %arg7: memref<2000x256xf32, #tpu.memory_space<vmem>>, %arg8: memref<2000x256xf32, #tpu.memory_space<vmem>>) attributes {dimension_semantics = [#tpu.dimension_semantics<arbitrary>], iteration_bounds = array<i64: 5>, scalar_prefetch = 0 : i64, scratch_operands = 0 : i64, tpu.core_type = #tpu.core_type<tc>, window_params = [{transform_indices = @transform_0, window_bounds = array<i64: 2000, 512>}, {pipeline_mode = #tpu.pipeline_mode<synchronous>, transform_indices = @transform_1, window_bounds = array<i64: 8, 512>}, {pipeline_mode = #tpu.pipeline_mode<synchronous>, transform_indices = @transform_2, window_bounds = array<i64: 1, 512>}, {pipeline_mode = #tpu.pipeline_mode<synchronous>, transform_indices = @transform_3, window_bounds = array<i64: 1, 512>}, {pipeline_mode = #tpu.pipeline_mode<synchronous>, transform_indices = @transform_4, window_bounds = array<i64: 512, 256>}, {pipeline_mode = #tpu.pipeline_mode<synchronous>, transform_indices = @transform_5, window_bounds = array<i64: 1, 256>}, {transform_indices = @transform_6, window_bounds = array<i64: 2000, 256>}, {transform_indices = @transform_7, window_bounds = array<i64: 2000, 256>}]} {
    %get3A = arith.constant 0 : index
    %get3A_0 = arith.constant 0 : index
    %get3A_1 = vector.load %arg2[%get3A, %get3A_0] : memref<8x512xf32, #tpu.memory_space<vmem>>, vector<8x512xf32>
    %slice3A = vector.extract_strided_slice %get3A_1 {offsets = [0, 0], sizes = [1, 512], strides = [1, 1]} : vector<8x512xf32> to vector<1x512xf32>
    %div3A = arith.constant 1.000000e+04 : f32
    %div3A_2 = vector.broadcast %div3A : f32 to vector<1x512xf32>
    %div3A_3 = arith.divf %slice3A, %div3A_2 : vector<1x512xf32>
    %slice3A_4 = vector.extract_strided_slice %get3A_1 {offsets = [1, 0], sizes = [1, 512], strides = [1, 1]} : vector<8x512xf32> to vector<1x512xf32>
    %div3A_5 = arith.constant 1.000000e+04 : f32
    %div3A_6 = vector.broadcast %div3A_5 : f32 to vector<1x512xf32>
    %div3A_7 = arith.divf %slice3A_4, %div3A_6 : vector<1x512xf32>
    %mul3A = arith.mulf %div3A_3, %div3A_3 : vector<1x512xf32>
    %sub3A = arith.subf %div3A_7, %mul3A : vector<1x512xf32>
    %add3A = arith.constant 9.99999974E-6 : f32
    %add3A_8 = vector.broadcast %add3A : f32 to vector<1x512xf32>
    %add3A_9 = arith.addf %sub3A, %add3A_8 : vector<1x512xf32>
    %rsqrt3A = math.rsqrt %add3A_9 : vector<1x512xf32>
    %get3A_10 = arith.constant 0 : index
    %get3A_11 = arith.constant 0 : index
    %get3A_12 = vector.load %arg1[%get3A_10, %get3A_11] : memref<2000x512xf32, #tpu.memory_space<vmem>>, vector<2000x512xf32>
    %sub3A_13 = vector.broadcast %div3A_3 : vector<1x512xf32> to vector<2000x512xf32>
    %sub3A_14 = arith.subf %get3A_12, %sub3A_13 : vector<2000x512xf32>
    %get3A_15 = arith.constant 0 : index
    %get3A_16 = arith.constant 0 : index
    %get3A_17 = vector.load %arg3[%get3A_15, %get3A_16] : memref<1x512xf32, #tpu.memory_space<vmem>>, vector<1x512xf32>
    %mul3A_18 = arith.mulf %rsqrt3A, %get3A_17 : vector<1x512xf32>
    %mul3A_19 = vector.broadcast %mul3A_18 : vector<1x512xf32> to vector<2000x512xf32>
    %mul3A_20 = arith.mulf %sub3A_14, %mul3A_19 : vector<2000x512xf32>
    %get3A_21 = arith.constant 0 : index
    %get3A_22 = arith.constant 0 : index
    %get3A_23 = vector.load %arg4[%get3A_21, %get3A_22] : memref<1x512xf32, #tpu.memory_space<vmem>>, vector<1x512xf32>
    %add3A_24 = vector.broadcast %get3A_23 : vector<1x512xf32> to vector<2000x512xf32>
    %add3A_25 = arith.addf %mul3A_20, %add3A_24 : vector<2000x512xf32>
    %max3A = arith.constant 0.000000e+00 : f32
    %max3A_26 = vector.broadcast %max3A : f32 to vector<2000x512xf32>
    %max3A_27 = arith.maximumf %add3A_25, %max3A_26 : vector<2000x512xf32>
    %get3A_28 = arith.constant 0 : index
    %get3A_29 = arith.constant 0 : index
    %get3A_30 = vector.load %arg5[%get3A_28, %get3A_29] : memref<512x256xf32, #tpu.memory_space<vmem>>, vector<512x256xf32>
    %dot_general3A = arith.constant dense<0.000000e+00> : vector<2000x256xf32>
    %dot_general3A_31 = tpu.matmul %max3A_27, %get3A_30, %dot_general3A {dimension_numbers = #tpu.dot_dimension_numbers<[1], [0], [0], [1], [0, 0, 1, 1], [], []>, transpose_lhs_hint = false} : vector<2000x512xf32>, vector<512x256xf32>, vector<2000x256xf32> -> vector<2000x256xf32>
    %get3A_32 = arith.constant 0 : index
    %get3A_33 = arith.constant 0 : index
    %get3A_34 = vector.load %arg6[%get3A_32, %get3A_33] : memref<1x256xf32, #tpu.memory_space<vmem>>, vector<1x256xf32>
    %add3A_35 = vector.broadcast %get3A_34 : vector<1x256xf32> to vector<2000x256xf32>
    %add3A_36 = arith.addf %dot_general3A_31, %add3A_35 : vector<2000x256xf32>
    %get3A_37 = arith.constant 0 : index
    %get3A_38 = arith.constant 0 : index
    %get3A_39 = vector.load %arg7[%get3A_37, %get3A_38] : memref<2000x256xf32, #tpu.memory_space<vmem>>, vector<2000x256xf32>
    %max3A_40 = arith.constant 0.000000e+00 : f32
    %max3A_41 = vector.broadcast %max3A_40 : f32 to vector<2000x256xf32>
    %max3A_42 = arith.maximumf %add3A_36, %max3A_41 : vector<2000x256xf32>
    %add3A_43 = arith.addf %get3A_39, %max3A_42 : vector<2000x256xf32>
    %swap3A = arith.constant 0 : index
    %swap3A_44 = arith.constant 0 : index
    %swap3A_45 = vector.load %arg8[%swap3A, %swap3A_44] : memref<2000x256xf32, #tpu.memory_space<vmem>>, vector<2000x256xf32>
    tpu.vector_store %arg8[%swap3A, %swap3A_44], %add3A_43 {strides = array<i32>} : memref<2000x256xf32, #tpu.memory_space<vmem>>, vector<2000x256xf32>,
    return
  }
  func.func @transform_0(%arg0: i32) -> (i32, i32) {
    %c0_i32 = arith.constant 0 : i32
    %c0_i32_0 = arith.constant 0 : i32
    return %arg0, %c0_i32 : i32, i32
  }
  func.func @transform_1(%arg0: i32) -> (i32, i32) {
    %c0_i32 = arith.constant 0 : i32
    %c0_i32_0 = arith.constant 0 : i32
    %c0_i32_1 = arith.constant 0 : i32
    return %c0_i32, %c0_i32_0 : i32, i32
  }
  func.func @transform_2(%arg0: i32) -> (i32, i32) {
    %c0_i32 = arith.constant 0 : i32
    %c0_i32_0 = arith.constant 0 : i32
    %c0_i32_1 = arith.constant 0 : i32
    return %c0_i32, %c0_i32_0 : i32, i32
  }
  func.func @transform_3(%arg0: i32) -> (i32, i32) {
    %c0_i32 = arith.constant 0 : i32
    %c0_i32_0 = arith.constant 0 : i32
    %c0_i32_1 = arith.constant 0 : i32
    return %c0_i32, %c0_i32_0 : i32, i32
  }
  func.func @transform_4(%arg0: i32) -> (i32, i32) {
    %c0_i32 = arith.constant 0 : i32
    %c0_i32_0 = arith.constant 0 : i32
    %c0_i32_1 = arith.constant 0 : i32
    return %c0_i32, %c0_i32_0 : i32, i32
  }
  func.func @transform_5(%arg0: i32) -> (i32, i32) {
    %c0_i32 = arith.constant 0 : i32
    %c0_i32_0 = arith.constant 0 : i32
    %c0_i32_1 = arith.constant 0 : i32
    return %c0_i32, %c0_i32_0 : i32, i32
  }
  func.func @transform_6(%arg0: i32) -> (i32, i32) {
    %c0_i32 = arith.constant 0 : i32
    %c0_i32_0 = arith.constant 0 : i32
    return %arg0, %c0_i32 : i32, i32
  }
  func.func @transform_7(%arg0: i32) -> (i32, i32) {
    %c0_i32 = arith.constant 0 : i32
    %c0_i32_0 = arith.constant 0 : i32
    return %arg0, %c0_i32 : i32, i32
  }
}

</mosaic_0001>

<sc_bundles>
// kernel: kernel.6.cloned.1.call-start
scs
__scs_entry_jumppad:
0x0: {  	(pc) =	sbr.rel $0x88, $3  }
0x1: {  	(tag) =	ssettag $0x0;
	lr =	simm.s32 $0x1  }
0x2: {  	[smem:$0x3F99] =	sst lr;
	_ =	strace $0xD0000000  }
0x3: {  	_ = 	snop  }
0x4: {  	_ = 	snop  }
0x5: {  	_ = 	snop  }
0x6: {  	_ = 	snop  }
0x7: {  	_ = 	snop  }
__scs_overlays_trampoline_lowered:
0x8: {  	[smem:$0x3FA8] =	sst s0  }
0x9: {  	[smem:$0x3FA9] =	sst s1  }
0xa: {  	[smem:$0x3FAA] =	sst s2  }
0xb: {  	[smem:$0x3FAB] =	sst s3  }
0xc: {  	[smem:$0x3FAC] =	sst s4  }
0xd: {  	[smem:$0x3FAD] =	sst s5  }
0xe: {  	[smem:$0x3FAE] =	sst s6  }
0xf: {  	[smem:$0x3FAF] =	sst s7  }
0x10: {  	[smem:$0x3FB0] =	sst s8  }
0x11: {  	[smem:$0x3FB1] =	sst s9;
	s0 =	simm.s32 @!p0 $0x0  }
0x12: {  	s1 =	sld [smem:$0x3F97];
	s0 =	simm.s32 @p0 $0x1  }
0x13: {  	[smem:$0x3FB2] =	sst s0;
	s0 =	simm.s32 @!p1 $0x0  }
0x14: {  	s2 =	sld [smem:$0x3F96];
	s0 =	simm.s32 @p1 $0x1  }
0x15: {  	[smem:$0x3FB3] =	sst s0;
	s0 =	simm.s32 @!p2 $0x0  }
0x16: {  	s3 =	sld [smem:$0x3FDB];
	s0 =	simm.s32 @p2 $0x1  }
0x17: {  	s4 =	simm.s32 $0x1BF5;
	[smem:$0x3FB5] =	sst s0  }
0x18: {  	s0 =	sld [smem:$0x3F98];
	_ =	swait.ge [sflag:s4], $0x0  }
0x19: {  	s7 =	sld [smem:$0x3F99]  }
0x1a: {  	s8 =	sadd.s32 $0xFFFFE003, lr  }
0x1b: {  	s9 =	sadd.s32 $0xFFFFFEF7, lr;
	s5 =	simm.s32 $0xFFFFFFFF;
	p2 =	slt.u32 s8, $0xFFFFF086  }
0x1c: {  	p1 =	slt.u32 s9, $0xF7A;
	s5 =	simm.s32 @!p2 $0x0  }
0x1d: {  	s5 =	simm.s32 @p1 $0x1;
	p0 =	seq.s32 s7, s2  }
0x1e: {  	s7 =	smul.u32 @!p0 $0xF7A, s2;
	p2 =	seq.s32 @!p0 s5, $0x0  }
0x1f: {  	s9 =	smul.u32 $0xF7A, s1;
	s8 =	simm.s32 @!p0 $0x1BF5;
	p2 =	por !p2, p0  }
0x20: {  	[sflag:s8] =	ssyncset.s32 @!p0 $0xFFFFF086;
	s6 =	sadd.s32 @!p0 s3, s7;
	s7 =	simm.s32 @!p0 $0x108  }
0x21: {  	s3 =	sadd.s32 s3, s9;
	s6 =	sadd.s32 @!p0 $0x88, s6;
	s7 =	simm.s32 @p2 $0x1082  }
0x22: {  	[simem:s7], [sflag:s8] =	dma.local @!p0 [hbm:s6], $0xF7A  }
0x23: {  	s9 =	sor.u32 $0xD0000000, s2;
	s6 =	simm.s32 $0x108;
	_ =	swait.ge @!p0 [sflag:s8], $0x0  }
0x24: {  	s3 =	sadd.s32 $0x88, s3;
	s6 =	simm.s32 @!p1 $0x1082;
	[sflag:s4] =	ssyncset.s32 $0xFFFFF086  }
0x25: {  	[simem:s6], [sflag:s4] =	dma.local [hbm:s3], $0xF7A  }
0x26: {  	[smem:$0x3F99] =	sst s1;
	(tag) =	ssettag s2;
	_ =	strace s9  }
0x27: {  	s1 =	sld [smem:$0x3FA9]  }
0x28: {  	s2 =	sld [smem:$0x3FAA]  }
0x29: {  	s4 =	sld [smem:$0x3FAC]  }
0x2a: {  	p0 =	seq.s32 s5, $0x0;
	s5 =	sld [smem:$0x3FAD]  }
0x2b: {  	s6 =	sld [smem:$0x3FAE]  }
0x2c: {  	s7 =	sld [smem:$0x3FAF]  }
0x2d: {  	s3 =	simm.s32 $0x108;
	s8 =	sld [smem:$0x3FB0]  }
0x2e: {  	s3 =	simm.s32 @!p0 $0x1082;
	s9 =	sld [smem:$0x3FB1]  }
0x2f: {  	lr =	sadd.s32 s0, s3;
	s0 =	sld [smem:$0x3FA8]  }
0x30: {  	s3 =	sld [smem:$0x3FAB]  }
0x31: {  	[smem:$0x3FB4] =	sst s10  }
0x32: {  	s10 =	sld [smem:$0x3FB2];
	_ =	sdelay $0x3  }
0x33: {  	p0 =	seq.s32 s10, $0x1;
	s10 =	sld [smem:$0x3FB4];
	_ =	sdelay $0x3  }
0x34: {  	[smem:$0x3FB4] =	sst s10  }
0x35: {  	s10 =	sld [smem:$0x3FB3];
	_ =	sdelay $0x3  }
0x36: {  	p1 =	seq.s32 s10, $0x1;
	s10 =	sld [smem:$0x3FB4];
	_ =	sdelay $0x3  }
0x37: {  	[smem:$0x3FB4] =	sst s10  }
0x38: {  	s10 =	sld [smem:$0x3FB5]  }
0x39: {  	_ = 	snop;
	(pc) =	sbr.ind lr, $3  }
0x3a: {  	_ = 	snop  }
0x3b: {  	_ = 	snop  }
0x3c: {  	p2 =	seq.s32 s10, $0x1;
	s10 =	sld [smem:$0x3FB4]  }
0x3d: {  	_ =	shalt  }
0x3e: {  	_ =	shalt  }
0x3f: {  	_ =	shalt  }
0x40: {  	_ =	shalt  }
0x41: {  	_ =	shalt  }
0x42: {  	_ =	shalt  }
0x43: {  	_ =	shalt  }
0x44: {  	_ =	shalt  }
0x45: {  	_ =	shalt  }
0x46: {  	_ =	shalt  }
0x47: {  	_ =	shalt  }
0x48: {  	_ =	shalt  }
0x49: {  	_ =	shalt  }
0x4a: {  	_ =	shalt  }
0x4b: {  	_ =	shalt  }
0x4c: {  	_ =	shalt  }
0x4d: {  	_ =	shalt  }
0x4e: {  	_ =	shalt  }
0x4f: {  	_ =	shalt  }
0x50: {  	_ =	shalt  }
0x51: {  	_ =	shalt  }
0x52: {  	_ =	shalt  }
0x53: {  	_ =	shalt  }
0x54: {  	_ =	shalt  }
0x55: {  	_ =	shalt  }
0x56: {  	_ =	shalt  }
0x57: {  	_ =	shalt  }
0x58: {  	_ =	shalt  }
0x59: {  	_ =	shalt  }
0x5a: {  	_ =	shalt  }
0x5b: {  	_ =	shalt  }
0x5c: {  	_ =	shalt  }
0x5d: {  	_ =	shalt  }
0x5e: {  	_ =	shalt  }
0x5f: {  	_ =	shalt  }
0x60: {  	_ =	shalt  }
0x61: {  	_ =	shalt  }
0x62: {  	_ =	shalt  }
0x63: {  	_ =	shalt  }
0x64: {  	_ =	shalt  }
0x65: {  	_ =	shalt  }
0x66: {  	_ =	shalt  }
0x67: {  	_ =	shalt  }
0x68: {  	_ =	shalt  }
0x69: {  	_ =	shalt  }
0x6a: {  	_ =	shalt  }
0x6b: {  	_ =	shalt  }
0x6c: {  	_ =	shalt  }
0x6d: {  	_ =	shalt  }
0x6e: {  	_ =	shalt  }
0x6f: {  	_ =	shalt  }
0x70: {  	_ =	shalt  }
0x71: {  	_ =	shalt  }
0x72: {  	_ =	shalt  }
0x73: {  	_ =	shalt  }
0x74: {  	_ =	shalt  }
0x75: {  	_ =	shalt  }
0x76: {  	_ =	shalt  }
0x77: {  	_ =	shalt  }
0x78: {  	_ =	shalt  }
0x79: {  	_ =	shalt  }
0x7a: {  	_ =	shalt  }
0x7b: {  	_ =	shalt  }
0x7c: {  	_ =	shalt  }
0x7d: {  	_ =	shalt  }
0x7e: {  	_ =	shalt  }
0x7f: {  	_ =	shalt  }
0x80: {  	_ =	shalt  }
0x81: {  	_ =	shalt  }
0x82: {  	_ =	shalt  }
0x83: {  	_ =	shalt  }
0x84: {  	_ =	shalt  }
0x85: {  	_ =	shalt  }
0x86: {  	_ =	shalt  }
0x87: {  	_ =	shalt  }
.Lfunc_end0:
.L_simem_size_0:
called_computation_lowered:
.L_overlay_start_0:
0x88: {  	s2 =	sld [smem:$0x3FD9]  }
0x89: {  	s3 =	sld [smem:$0x3FFE];
	_ =	sdelay $0x1  }
0x8a: {  	s1 =	srdreg.scid  }
0x8b: {  	s0 =	sand.u32 $0x1, s1  }
0x8c: {  	s17 =	sshll.u32 s0, $0xA;
	s2 =	sadd.s32 s3, s2  }
0x8d: {  	s2 =	sadd.s32 s2, s17  }
0x8e: {  	[smem:$0x3FC0] =	sst s2  }
0x8f: {  	_ = 	snop  }
0x90: {  	s2 =	sld [smem:$0x3FD0];
	(tm) =	ssettm $0x1  }
0x91: {  	s18 =	sld [smem:$0x3FFB];
	_ =	sdelay $0x3  }
0x92: {  	_ =	strace s18  }
0x93: {  	s3 =	sld [smem:$0x3FFC];
	_ =	sdelay $0x3  }
0x94: {  	_ =	strace s3  }
0x95: {  	s3 =	sld [smem:$0x3FFD];
	_ =	sdelay $0x3  }
0x96: {  	_ =	strace s3  }
0x97: {  	_ =	strace $0x8FFFFFFF  }
0x98: {  	s19 =	sld [smem:$0x3FDB];
	_ =	sdelay $0x1  }
0x99: {  	s4 =	simm.s32 $_scs_section_size  }
0x9a: {  	s5 =	simm.s32 $_size__tile_overlayer_lowered;
	s6 =	simm.s32 $_tile_overlayer_lowered  }
0x9b: {  	s22 =	simm.s32 $0x1BFF;
	s21 =	sshll.u32 s6, $0x1;
	s3 =	sadd.s32 s4, s19  }
0x9c: {  	s7 =	simm.s32 $0x0;
	s20 =	sshll.u32 s5, $0x1;
	s5 =	sadd.s32 s21, s3  }
0x9d: {  	[timem:s7], [sflag:s22] =	dma.local [hbm:s5], s20  }
0x9e: {  	_ =	swait.ge [sflag:s22], s20  }
0x9f: {  	s4 =	ssub.s32 $0x0, s20;
	[sflag:s22] =	ssyncset.done $0x0  }
0xa0: {  	[sflag:s22] =	ssyncadd.s32 s4;
	_ =	sdelay $0x1  }
0xa1: {  	s23 =	simm.s32 $0x1B8B  }
0xa2: {  	_ =	swait.ge [sflag:s23], $0x1  }
0xa3: {  	[sflag:s23] =	ssyncset.done $0x0  }
0xa4: {  	s25 =	simm.s32 $0x1B8E;
	s24 =	sld [smem:$0x3FFE];
	[sflag:s23] =	ssyncadd.s32 $0xFFFFFFFF  }
0xa5: {  	s26 =	simm.s32 $execute0_lowered;
	[smem:$0x3FD2] =	sst s25  }
0xa6: {  	s5 =	sshll.u32 s26, $0x1;
	_ =	strace $0x80000046;
	[dreg:$0x1] =	wrdreg $0xFFFFFFFF  }
0xa7: {  	s28 =	simm.s32 $_size_execute0_lowered;
	s3 =	sadd.s32 s3, s5;
	[dreg:$0x0] =	wrdreg $0x0  }
0xa8: {  	s5 =	sshll.u32 s28, $0x1;
	[dreg:$0x2] =	wrdreg s3  }
0xa9: {  	[dreg:$0x3] =	wrdreg s5  }
0xaa: {  	[dreg:$0x4] =	wrdreg $0xC0  }
0xab: {  	_ =	task [dreg:s7], $0x5FFFF  }
0xac: {  	[dreg:$0x1] =	wrdreg $0xFFFFFFFF  }
0xad: {  	[dreg:$0x0] =	wrdreg $0x60  }
0xae: {  	[dreg:$0x2] =	wrdreg s24  }
0xaf: {  	[dreg:$0x3] =	wrdreg s2  }
0xb0: {  	[dreg:$0x4] =	wrdreg $0x88000  }
0xb1: {  	[dreg:$0x5] =	wrdreg $0x9  }
0xb2: {  	_ =	task.clear_ibuf [dreg:s7], $0x6FFFF;
	_ =	strace $0x90000046  }
0xb3: {  	s29 =	simm.s32 $0x9;
	_ =	strace $0x80000048  }
0xb4: {  	_ =	swait.ge [sflag:s29], $0x1  }
0xb5: {  	[sflag:s29] =	ssyncadd.s32 $0xFFFFFFFF  }
0xb6: {  	_ =	strace $0x90000048  }
0xb7: {  	_ =	sfence  }
0xb8: {  	s30 =	sld [smem:$0x0];
	_ =	sdelay $0x2  }
0xb9: {  	s31 =	sshll.u32 s1, $0xD;
	s1 =	sshrl.u32 s1, $0x2  }
0xba: {  	s3 =	sand.u32 $0x4000, s31;
	s1 =	sadd.s32 s1, s30  }
0xbb: {  	s0 =	sor.u32 s3, s0;
	s1 =	sshll.u32 s1, $0x11  }
0xbc: {  	s0 =	sor.u32 s1, s0  }
0xbd: {  	s0 =	sadd.s32 $0x8F2B, s0  }
0xbe: {  	[sflag:s0] =	ssyncadd.remote.s32 $0x1  }
0xbf: {  	_ =	sfence.sel $0xFFFF  }
0xc0: {  	[dreg:$0x0] =	wrdreg $0xFFFFFFFF;
	(pc) =	sbr.abs _section_cstart, $3  }
0xc1: {  	[dreg:$0x1] =	wrdreg $0xFFFFFFFF  }
0xc2: {  	_ =	task.clear_ibuf [dreg:s7], $0x2FFFF;
	_ =	strace $0x9FFFFFFF  }
0xc3: {  	(tm) =	ssettm $0x7FFFFFFF  }
tec
execute0_lowered:
.L_overlay_start_1:
0x0: {  	(tag) =	ssettag $0x1  }
0x1: {  	s0 =	rddreg [dreg:$0x0]  }
0x2: {  	s1 =	rddreg [dreg:$0x1]  }
0x3: {  	s2 =	rddreg [dreg:$0x2];
	s3 =	simm.s32 $0x0;
	s13 =	stileid.u32  }
0x4: {  	s6 =	srdreg.scid;
	s15 =	simm.s32 $0x400;
	s16 =	simm.s32 $0x80  }
0x5: {  	s17 =	simm.s32 $0x800;
	s18 =	simm.s32 $0x4800;
	s19 =	simm.s32 $0x1  }
0x6: {  	s20 =	simm.s32 $0x100;
	s28 =	simm.s32 $0x280;
	s29 =	simm.s32 $0x600  }
0x7: {  	s30 =	simm.s32 $0x300;
	s31 =	simm.s32 $0x680;
	s5 =	smul.u32 $0x500, s13  }
0x8: {  	[smem:$0x7FF] =	sst s3;
	s4 =	sadd.s32 $0xE00, s0;
	s7 =	smul.u32 $0x50000, s13  }
0x9: {  	s6 =	sand.u32 $0x1, s6;
	s8 =	sadd.s32 $0xA2200, s0;
	s11 =	smul.u32 $0x14000, s13  }
0xa: {  	s22 =	sshll.u32 s13, $0x6;
	s13 =	smul.u32 $0x2800, s13;
	_ =	strace $0x80000047  }
0xb: {  	[dreg:$0x4] =	wrdreg s8;
	s21 =	ssub.s32 $0x2, s6;
	s9 =	smul.u32 $0x50000, s6  }
0xc: {  	s12 =	smul.u32 $0x280000, s6;
	s6 =	sshllo.u32 s6, $0x1;
	s14 =	sor.u32 $0x1C03, s22  }
0xd: {  	s22 =	simm.s32 $0x480;
	s5 =	sadd.s32 s5, s0;
	s0 =	sadd.s32 $0xA4A00, s0  }
0xe: {  	s10 =	sshrl.u32 s21, $0x1;
	s7 =	sshrl.u32 s7, $0x2;
	s6 =	smul.u32 $0x140000, s6  }
0xf: {  	s8 =	ssub.s32 s21, s10;
	s7 =	sadd.s32 s7, s2;
	s12 =	sadd.s32 s11, s12  }
0x10: {  	s9 =	sadd.s32 s9, s13;
	s21 =	simm.s32 $0x2;
	s23 =	sshrl.u32 s12, $0x3  }
0x11: {  	s6 =	sadd.s32 s11, s6;
	s24 =	sshrl.u32 s9, $0x3;
	s25 =	sadd.s32 $0x28000, s9  }
0x12: {  	s8 =	smax.u32 s8, $0x1;
	s11 =	sadd.s32 $0x9D200, s5;
	s9 =	simm.s32 $0x0  }
0x13: {  	s10 =	sadd.s32 s0, s23;
	s6 =	sshrl.u32 s6, $0x3;
	[dreg:$0x8] =	wrdreg s8  }
0x14: {  	s26 =	sshrl.u32 s25, $0x3;
	s8 =	sshrl.u32 s7, $0x3;
	s23 =	simm.s32 $0x180  }
0x15: {  	s25 =	simm.s32 $0x200;
	s7 =	simm.s32 $0x780;
	[dreg:$0x6] =	wrdreg s10  }
0x16: {  	s0 =	sadd.s32 s0, s6;
	s10 =	sadd.s32 s24, s1;
	s6 =	smov.u32 s14  }
0x17: {  	s12 =	sadd.s32 s26, s1;
	s14 =	simm.s32 $0x3;
	[dreg:$0x9] =	wrdreg s8  }
0x18: {  	s24 =	simm.s32 $0x500;
	s26 =	simm.s32 $0x580;
	[dreg:$0x7] =	wrdreg s0  }
0x19: {  	s1 =	simm.s32 $0x700;
	s0 =	simm.s32 $0x380;
	[dreg:$0x5] =	wrdreg s6  }
.LBB2_1:
0x1a: {  	[dreg:$0xa] =	wrdreg s9  }
0x1b: {  	s5 =	rddreg [dreg:$0x4]  }
0x1c: {  	[spmem:s8], [sflag:s6] =	dma.local [hbm:s5], $0x2800  }
0x1d: {  	_ =	swait.ge [sflag:s14], $0x2800  }
0x1e: {  	[sflag:s14] =	ssyncset.done $0x0  }
0x1f: {  	[sflag:s14] =	ssyncadd.s32 $0xFFFFD800  }
0x20: {  	s9 =	sadd.s32 $0x0, s10;
	[bflag:$0x0] =	sbarrier.arrive $0xFFFF  }
0x21: {  	[tilespmem:s3], [sflag:$0x3] =	stream.linear.gather [hbm4b:s9+s3], $0x400, $0x38;
	[tilespmem:$0x1C800] =	vst v63  }
0x22: {  	_ =	swait.ge [sflag:s14], $0x400  }
0x23: {  	[sflag:s14] =	ssyncset.done $0x0  }
0x24: {  	s13 =	sadd.s32 $0x0, s11;
	[sflag:s14] =	ssyncadd.s32 $0xFFFFFC00  }
0x25: {  	[tilespmem:s15], [sflag:$0x3] =	stream.linear.gather [hbm4b:s13+s3], $0x400, $0x38;
	[tilespmem:$0x1C800] =	vst v63  }
0x26: {  	_ =	swait.ge [sflag:s14], $0x400  }
0x27: {  	[sflag:s14] =	ssyncset.done $0x0  }
0x28: {  	[sflag:s14] =	ssyncadd.s32 $0xFFFFFC00  }
0x29: {  	[tilespmem:s17], [sflag:$0x1] =	stream.indirect.gather [hbm4b:s4+s16], $0x80, s3, s16, $0xb8;
	[tilespmem:$0x1C800] =	vst v63  }
0x2a: {  	_ = 	snop  }
0x2b: {  	[tilespmem:s18], [sflag:$0x2] =	stream.indirect.gather [hbm4b:s4+s16], $0x80, s16, s16, $0xb8;
	[tilespmem:$0x1C800] =	vst v63  }
0x2c: {  	_ =	swait.ge [sflag:s19], $0x4000  }
0x2d: {  	[sflag:s19] =	ssyncset.done $0x0  }
0x2e: {  	[sflag:s19] =	ssyncadd.s32 $0xFFFFC000  }
0x2f: {  	[spmem:s2] =	stream.indirect.scatter.add.f32 [tilespmem:s17], [sflag:$0x3], $0x80, s15, s16, $0xb8;
	[tilespmem:$0x1C800] =	vst v63  }
0x30: {  	_ =	swait.ge [sflag:s14], $0x4000  }
0x31: {  	[sflag:s14] =	ssyncset.done $0x0  }
0x32: {  	[sflag:s14] =	ssyncadd.s32 $0xFFFFC000  }
0x33: {  	[tilespmem:s17], [sflag:$0x1] =	stream.indirect.gather [hbm4b:s4+s16], $0x80, s20, s16, $0xb8;
	[tilespmem:$0x1C800] =	vst v63  }
0x34: {  	_ =	swait.ge [sflag:s21], $0x4000  }
0x35: {  	[sflag:s21] =	ssyncset.done $0x0  }
0x36: {  	[sflag:s21] =	ssyncadd.s32 $0xFFFFC000  }
0x37: {  	[spmem:s2] =	stream.indirect.scatter.add.f32 [tilespmem:s18], [sflag:$0x3], $0x80, s22, s16, $0xb8;
	[tilespmem:$0x1C800] =	vst v63  }
0x38: {  	_ =	swait.ge [sflag:s14], $0x4000  }
0x39: {  	[sflag:s14] =	ssyncset.done $0x0  }
0x3a: {  	[sflag:s14] =	ssyncadd.s32 $0xFFFFC000  }
0x3b: {  	[tilespmem:s18], [sflag:$0x2] =	stream.indirect.gather [hbm4b:s4+s16], $0x80, s23, s16, $0xb8;
	[tilespmem:$0x1C800] =	vst v63  }
0x3c: {  	_ =	swait.ge [sflag:s19], $0x4000  }
0x3d: {  	[sflag:s19] =	ssyncset.done $0x0  }
0x3e: {  	[sflag:s19] =	ssyncadd.s32 $0xFFFFC000  }
0x3f: {  	[spmem:s2] =	stream.indirect.scatter.add.f32 [tilespmem:s17], [sflag:$0x3], $0x80, s24, s16, $0xb8;
	[tilespmem:$0x1C800] =	vst v63  }
0x40: {  	_ =	swait.ge [sflag:s14], $0x4000  }
0x41: {  	[sflag:s14] =	ssyncset.done $0x0  }
0x42: {  	[sflag:s14] =	ssyncadd.s32 $0xFFFFC000  }
0x43: {  	[tilespmem:s17], [sflag:$0x1] =	stream.indirect.gather [hbm4b:s4+s16], $0x80, s25, s16, $0xb8;
	[tilespmem:$0x1C800] =	vst v63  }
0x44: {  	_ =	swait.ge [sflag:s21], $0x4000  }
0x45: {  	[sflag:s21] =	ssyncset.done $0x0  }
0x46: {  	[sflag:s21] =	ssyncadd.s32 $0xFFFFC000  }
0x47: {  	[spmem:s2] =	stream.indirect.scatter.add.f32 [tilespmem:s18], [sflag:$0x3], $0x80, s26, s16, $0xb8;
	[tilespmem:$0x1C800] =	vst v63  }
0x48: {  	_ =	swait.ge [sflag:s14], $0x4000  }
0x49: {  	[sflag:s14] =	ssyncset.done $0x0  }
0x4a: {  	[sflag:s14] =	ssyncadd.s32 $0xFFFFC000  }
0x4b: {  	[tilespmem:s18], [sflag:$0x2] =	stream.indirect.gather [hbm4b:s4+s16], $0x80, s28, s16, $0xb8;
	[tilespmem:$0x1C800] =	vst v63  }
0x4c: {  	_ =	swait.ge [sflag:s19], $0x4000  }
0x4d: {  	[sflag:s19] =	ssyncset.done $0x0  }
0x4e: {  	[sflag:s19] =	ssyncadd.s32 $0xFFFFC000  }
0x4f: {  	[spmem:s2] =	stream.indirect.scatter.add.f32 [tilespmem:s17], [sflag:$0x3], $0x80, s29, s16, $0xb8;
	[tilespmem:$0x1C800] =	vst v63  }
0x50: {  	_ =	swait.ge [sflag:s14], $0x4000  }
0x51: {  	[sflag:s14] =	ssyncset.done $0x0  }
0x52: {  	[sflag:s14] =	ssyncadd.s32 $0xFFFFC000  }
0x53: {  	[tilespmem:s17], [sflag:$0x1] =	stream.indirect.gather [hbm4b:s4+s16], $0x80, s30, s16, $0xb8;
	[tilespmem:$0x1C800] =	vst v63  }
0x54: {  	_ =	swait.ge [sflag:s21], $0x4000  }
0x55: {  	[sflag:s21] =	ssyncset.done $0x0  }
0x56: {  	[sflag:s21] =	ssyncadd.s32 $0xFFFFC000  }
0x57: {  	[spmem:s2] =	stream.indirect.scatter.add.f32 [tilespmem:s18], [sflag:$0x3], $0x80, s31, s16, $0xb8;
	[tilespmem:$0x1C800] =	vst v63  }
0x58: {  	_ =	swait.ge [sflag:s14], $0x4000  }
0x59: {  	[sflag:s14] =	ssyncset.done $0x0  }
0x5a: {  	[sflag:s14] =	ssyncadd.s32 $0xFFFFC000  }
0x5b: {  	[tilespmem:s18], [sflag:$0x2] =	stream.indirect.gather [hbm4b:s4+s16], $0x80, s0, s16, $0xb8;
	[tilespmem:$0x1C800] =	vst v63  }
0x5c: {  	_ =	swait.ge [sflag:s19], $0x4000  }
0x5d: {  	[sflag:s19] =	ssyncset.done $0x0  }
0x5e: {  	[sflag:s19] =	ssyncadd.s32 $0xFFFFC000  }
0x5f: {  	[spmem:s2] =	stream.indirect.scatter.add.f32 [tilespmem:s17], [sflag:$0x3], $0x80, s1, s16, $0xb8;
	[tilespmem:$0x1C800] =	vst v63  }
0x60: {  	_ =	swait.ge [sflag:s14], $0x4000  }
0x61: {  	[sflag:s14] =	ssyncset.done $0x0  }
0x62: {  	[sflag:s14] =	ssyncadd.s32 $0xFFFFC000  }
0x63: {  	_ =	swait.ge [sflag:s21], $0x4000  }
0x64: {  	[sflag:s21] =	ssyncset.done $0x0  }
0x65: {  	[sflag:s21] =	ssyncadd.s32 $0xFFFFC000  }
0x66: {  	[spmem:s2] =	stream.indirect.scatter.add.f32 [tilespmem:s18], [sflag:$0x3], $0x80, s7, s16, $0xb8;
	[tilespmem:$0x1C800] =	vst v63  }
0x67: {  	_ =	swait.ge [sflag:s14], $0x4000  }
0x68: {  	s5 =	simm.s32 $0x100;
	s9 =	simm.s32 $0x80;
	[sflag:s14] =	ssyncset.done $0x0  }
.LBB2_2:
0x69: {  	s13 =	sadd.s32 s9, s10  }
0x6a: {  	[sflag:s14] =	ssyncadd.s32 $0xFFFFC000;
	s8 =	smov.u32 s5;
	s6 =	sadd.s32 $0x80, s5  }
0x6b: {  	[tilespmem:s3], [sflag:$0x3] =	stream.linear.gather [hbm4b:s13+s3], $0x400, $0x38;
	[tilespmem:$0x1C800] =	vst v63  }
0x6c: {  	p0 =	sne.s32 s5, $0x480;
	_ =	swait.ge [sflag:s14], $0x400  }
0x6d: {  	[sflag:s14] =	ssyncset.done $0x0  }
0x6e: {  	s5 =	sadd.s32 s9, s11;
	s9 =	smov.u32 s8;
	[sflag:s14] =	ssyncadd.s32 $0xFFFFFC00  }
0x6f: {  	[tilespmem:s15], [sflag:$0x3] =	stream.linear.gather [hbm4b:s5+s3], $0x400, $0x38;
	[tilespmem:$0x1C800] =	vst v63  }
0x70: {  	_ =	swait.ge [sflag:s14], $0x400  }
0x71: {  	[sflag:s14] =	ssyncset.done $0x0  }
0x72: {  	[sflag:s14] =	ssyncadd.s32 $0xFFFFFC00  }
0x73: {  	[tilespmem:s17], [sflag:$0x1] =	stream.indirect.gather [hbm4b:s4+s16], $0x80, s3, s16, $0xb8;
	[tilespmem:$0x1C800] =	vst v63  }
0x74: {  	_ = 	snop  }
0x75: {  	[tilespmem:s18], [sflag:$0x2] =	stream.indirect.gather [hbm4b:s4+s16], $0x80, s16, s16, $0xb8;
	[tilespmem:$0x1C800] =	vst v63  }
0x76: {  	_ =	swait.ge [sflag:s19], $0x4000  }
0x77: {  	[sflag:s19] =	ssyncset.done $0x0  }
0x78: {  	[sflag:s19] =	ssyncadd.s32 $0xFFFFC000  }
0x79: {  	[spmem:s2] =	stream.indirect.scatter.add.f32 [tilespmem:s17], [sflag:$0x3], $0x80, s15, s16, $0xb8;
	[tilespmem:$0x1C800] =	vst v63  }
0x7a: {  	_ =	swait.ge [sflag:s14], $0x4000  }
0x7b: {  	[sflag:s14] =	ssyncset.done $0x0  }
0x7c: {  	[sflag:s14] =	ssyncadd.s32 $0xFFFFC000  }
0x7d: {  	[tilespmem:s17], [sflag:$0x1] =	stream.indirect.gather [hbm4b:s4+s16], $0x80, s20, s16, $0xb8;
	[tilespmem:$0x1C800] =	vst v63  }
0x7e: {  	_ =	swait.ge [sflag:s21], $0x4000  }
0x7f: {  	[sflag:s21] =	ssyncset.done $0x0  }
0x80: {  	[sflag:s21] =	ssyncadd.s32 $0xFFFFC000  }
0x81: {  	[spmem:s2] =	stream.indirect.scatter.add.f32 [tilespmem:s18], [sflag:$0x3], $0x80, s22, s16, $0xb8;
	[tilespmem:$0x1C800] =	vst v63  }
0x82: {  	_ =	swait.ge [sflag:s14], $0x4000  }
0x83: {  	[sflag:s14] =	ssyncset.done $0x0  }
0x84: {  	[sflag:s14] =	ssyncadd.s32 $0xFFFFC000  }
0x85: {  	[tilespmem:s18], [sflag:$0x2] =	stream.indirect.gather [hbm4b:s4+s16], $0x80, s23, s16, $0xb8;
	[tilespmem:$0x1C800] =	vst v63  }
0x86: {  	_ =	swait.ge [sflag:s19], $0x4000  }
0x87: {  	[sflag:s19] =	ssyncset.done $0x0  }
0x88: {  	[sflag:s19] =	ssyncadd.s32 $0xFFFFC000  }
0x89: {  	[spmem:s2] =	stream.indirect.scatter.add.f32 [tilespmem:s17], [sflag:$0x3], $0x80, s24, s16, $0xb8;
	[tilespmem:$0x1C800] =	vst v63  }
0x8a: {  	_ =	swait.ge [sflag:s14], $0x4000  }
0x8b: {  	[sflag:s14] =	ssyncset.done $0x0  }
0x8c: {  	[sflag:s14] =	ssyncadd.s32 $0xFFFFC000  }
0x8d: {  	[tilespmem:s17], [sflag:$0x1] =	stream.indirect.gather [hbm4b:s4+s16], $0x80, s25, s16, $0xb8;
	[tilespmem:$0x1C800] =	vst v63  }
0x8e: {  	_ =	swait.ge [sflag:s21], $0x4000  }
0x8f: {  	[sflag:s21] =	ssyncset.done $0x0  }
0x90: {  	[sflag:s21] =	ssyncadd.s32 $0xFFFFC000  }
0x91: {  	[spmem:s2] =	stream.indirect.scatter.add.f32 [tilespmem:s18], [sflag:$0x3], $0x80, s26, s16, $0xb8;
	[tilespmem:$0x1C800] =	vst v63  }
0x92: {  	_ =	swait.ge [sflag:s14], $0x4000  }
0x93: {  	[sflag:s14] =	ssyncset.done $0x0  }
0x94: {  	[sflag:s14] =	ssyncadd.s32 $0xFFFFC000  }
0x95: {  	[tilespmem:s18], [sflag:$0x2] =	stream.indirect.gather [hbm4b:s4+s16], $0x80, s28, s16, $0xb8;
	[tilespmem:$0x1C800] =	vst v63  }
0x96: {  	_ =	swait.ge [sflag:s19], $0x4000  }
0x97: {  	[sflag:s19] =	ssyncset.done $0x0  }
0x98: {  	[sflag:s19] =	ssyncadd.s32 $0xFFFFC000  }
0x99: {  	[spmem:s2] =	stream.indirect.scatter.add.f32 [tilespmem:s17], [sflag:$0x3], $0x80, s29, s16, $0xb8;
	[tilespmem:$0x1C800] =	vst v63  }
0x9a: {  	_ =	swait.ge [sflag:s14], $0x4000  }
0x9b: {  	[sflag:s14] =	ssyncset.done $0x0  }
0x9c: {  	[sflag:s14] =	ssyncadd.s32 $0xFFFFC000  }
0x9d: {  	[tilespmem:s17], [sflag:$0x1] =	stream.indirect.gather [hbm4b:s4+s16], $0x80, s30, s16, $0xb8;
	[tilespmem:$0x1C800] =	vst v63  }
0x9e: {  	_ =	swait.ge [sflag:s21], $0x4000  }
0x9f: {  	[sflag:s21] =	ssyncset.done $0x0  }
0xa0: {  	[sflag:s21] =	ssyncadd.s32 $0xFFFFC000  }
0xa1: {  	[spmem:s2] =	stream.indirect.scatter.add.f32 [tilespmem:s18], [sflag:$0x3], $0x80, s31, s16, $0xb8;
	[tilespmem:$0x1C800] =	vst v63  }
0xa2: {  	_ =	swait.ge [sflag:s14], $0x4000  }
0xa3: {  	[sflag:s14] =	ssyncset.done $0x0  }
0xa4: {  	[sflag:s14] =	ssyncadd.s32 $0xFFFFC000  }
0xa5: {  	[tilespmem:s18], [sflag:$0x2] =	stream.indirect.gather [hbm4b:s4+s16], $0x80, s0, s16, $0xb8;
	[tilespmem:$0x1C800] =	vst v63  }
0xa6: {  	_ =	swait.ge [sflag:s19], $0x4000  }
0xa7: {  	[sflag:s19] =	ssyncset.done $0x0  }
0xa8: {  	[sflag:s19] =	ssyncadd.s32 $0xFFFFC000  }
0xa9: {  	[spmem:s2] =	stream.indirect.scatter.add.f32 [tilespmem:s17], [sflag:$0x3], $0x80, s1, s16, $0xb8;
	[tilespmem:$0x1C800] =	vst v63  }
0xaa: {  	_ =	swait.ge [sflag:s14], $0x4000  }
0xab: {  	[sflag:s14] =	ssyncset.done $0x0  }
0xac: {  	[sflag:s14] =	ssyncadd.s32 $0xFFFFC000  }
0xad: {  	_ =	swait.ge [sflag:s21], $0x4000  }
.Ltmp0:
0xae: {  	[sflag:s21] =	ssyncset.done $0x0;
	(pc) =	sbr.rel @p0 .LBB2_2-.Ltmp0, $4  }
0xaf: {  	[sflag:s21] =	ssyncadd.s32 $0xFFFFC000  }
0xb0: {  	[spmem:s2] =	stream.indirect.scatter.add.f32 [tilespmem:s18], [sflag:$0x3], $0x80, s7, s16, $0xb8;
	[tilespmem:$0x1C800] =	vst v63  }
0xb1: {  	_ =	swait.ge [sflag:s14], $0x4000  }
0xb2: {  	s5 =	smov.u32 s6;
	[sflag:s14] =	ssyncset.done $0x0  }
0xb3: {  	s5 =	sadd.s32 s9, s10;
	[sflag:s14] =	ssyncadd.s32 $0xFFFFC000  }
0xb4: {  	[tilespmem:s3], [sflag:$0x3] =	stream.linear.gather [hbm4b:s5+s3], $0x400, $0x38;
	[tilespmem:$0x1C800] =	vst v63  }
0xb5: {  	_ =	swait.ge [sflag:s14], $0x400  }
0xb6: {  	[sflag:s14] =	ssyncset.done $0x0  }
0xb7: {  	s8 =	sadd.s32 s9, s11;
	[sflag:s14] =	ssyncadd.s32 $0xFFFFFC00  }
0xb8: {  	[tilespmem:s15], [sflag:$0x3] =	stream.linear.gather [hbm4b:s8+s3], $0x400, $0x38;
	[tilespmem:$0x1C800] =	vst v63  }
0xb9: {  	_ =	swait.ge [sflag:s14], $0x400  }
0xba: {  	[sflag:s14] =	ssyncset.done $0x0  }
0xbb: {  	[sflag:s14] =	ssyncadd.s32 $0xFFFFFC00  }
0xbc: {  	[tilespmem:s17], [sflag:$0x1] =	stream.indirect.gather [hbm4b:s4+s16], $0x80, s3, s16, $0xb8;
	[tilespmem:$0x1C800] =	vst v63  }
0xbd: {  	_ = 	snop  }
0xbe: {  	[tilespmem:s18], [sflag:$0x2] =	stream.indirect.gather [hbm4b:s4+s16], $0x80, s16, s16, $0xb8;
	[tilespmem:$0x1C800] =	vst v63  }
0xbf: {  	_ =	swait.ge [sflag:s19], $0x4000  }
0xc0: {  	[sflag:s19] =	ssyncset.done $0x0  }
0xc1: {  	[sflag:s19] =	ssyncadd.s32 $0xFFFFC000  }
0xc2: {  	[spmem:s2] =	stream.indirect.scatter.add.f32 [tilespmem:s17], [sflag:$0x3], $0x80, s15, s16, $0xb8;
	[tilespmem:$0x1C800] =	vst v63  }
0xc3: {  	_ =	swait.ge [sflag:s14], $0x4000  }
0xc4: {  	[sflag:s14] =	ssyncset.done $0x0  }
0xc5: {  	[sflag:s14] =	ssyncadd.s32 $0xFFFFC000  }
0xc6: {  	[tilespmem:s17], [sflag:$0x1] =	stream.indirect.gather [hbm4b:s4+s16], $0x80, s20, s16, $0xb8;
	[tilespmem:$0x1C800] =	vst v63  }
0xc7: {  	_ =	swait.ge [sflag:s21], $0x4000  }
0xc8: {  	[sflag:s21] =	ssyncset.done $0x0  }
0xc9: {  	[sflag:s21] =	ssyncadd.s32 $0xFFFFC000  }
0xca: {  	[spmem:s2] =	stream.indirect.scatter.add.f32 [tilespmem:s18], [sflag:$0x3], $0x80, s22, s16, $0xb8;
	[tilespmem:$0x1C800] =	vst v63  }
0xcb: {  	_ =	swait.ge [sflag:s14], $0x4000  }
0xcc: {  	[sflag:s14] =	ssyncset.done $0x0  }
0xcd: {  	[sflag:s14] =	ssyncadd.s32 $0xFFFFC000  }
0xce: {  	[tilespmem:s18], [sflag:$0x2] =	stream.indirect.gather [hbm4b:s4+s16], $0x80, s23, s16, $0xb8;
	[tilespmem:$0x1C800] =	vst v63  }
0xcf: {  	_ =	swait.ge [sflag:s19], $0x4000  }
0xd0: {  	[sflag:s19] =	ssyncset.done $0x0  }
0xd1: {  	[sflag:s19] =	ssyncadd.s32 $0xFFFFC000  }
0xd2: {  	[spmem:s2] =	stream.indirect.scatter.add.f32 [tilespmem:s17], [sflag:$0x3], $0x80, s24, s16, $0xb8;
	[tilespmem:$0x1C800] =	vst v63  }
0xd3: {  	_ =	swait.ge [sflag:s14], $0x4000  }
0xd4: {  	[sflag:s14] =	ssyncset.done $0x0  }
0xd5: {  	[sflag:s14] =	ssyncadd.s32 $0xFFFFC000  }
0xd6: {  	[tilespmem:s17], [sflag:$0x1] =	stream.indirect.gather [hbm4b:s4+s16], $0x80, s25, s16, $0xb8;
	[tilespmem:$0x1C800] =	vst v63  }
0xd7: {  	_ =	swait.ge [sflag:s21], $0x4000  }
0xd8: {  	[sflag:s21] =	ssyncset.done $0x0  }
0xd9: {  	[sflag:s21] =	ssyncadd.s32 $0xFFFFC000  }
0xda: {  	[spmem:s2] =	stream.indirect.scatter.add.f32 [tilespmem:s18], [sflag:$0x3], $0x80, s26, s16, $0xb8;
	[tilespmem:$0x1C800] =	vst v63  }
0xdb: {  	_ =	swait.ge [sflag:s14], $0x4000  }
0xdc: {  	[sflag:s14] =	ssyncset.done $0x0  }
0xdd: {  	[sflag:s14] =	ssyncadd.s32 $0xFFFFC000  }
0xde: {  	[tilespmem:s18], [sflag:$0x2] =	stream.indirect.gather [hbm4b:s4+s16], $0x80, s28, s16, $0xb8;
	[tilespmem:$0x1C800] =	vst v63  }
0xdf: {  	_ =	swait.ge [sflag:s19], $0x4000  }
0xe0: {  	[sflag:s19] =	ssyncset.done $0x0  }
0xe1: {  	[sflag:s19] =	ssyncadd.s32 $0xFFFFC000  }
0xe2: {  	[spmem:s2] =	stream.indirect.scatter.add.f32 [tilespmem:s17], [sflag:$0x3], $0x80, s29, s16, $0xb8;
	[tilespmem:$0x1C800] =	vst v63  }
0xe3: {  	_ =	swait.ge [sflag:s14], $0x4000  }
0xe4: {  	[sflag:s14] =	ssyncset.done $0x0  }
0xe5: {  	[sflag:s14] =	ssyncadd.s32 $0xFFFFC000  }
0xe6: {  	[tilespmem:s17], [sflag:$0x1] =	stream.indirect.gather [hbm4b:s4+s16], $0x80, s30, s16, $0xb8;
	[tilespmem:$0x1C800] =	vst v63  }
0xe7: {  	_ =	swait.ge [sflag:s21], $0x4000  }
0xe8: {  	[sflag:s21] =	ssyncset.done $0x0  }
0xe9: {  	[sflag:s21] =	ssyncadd.s32 $0xFFFFC000  }
0xea: {  	[spmem:s2] =	stream.indirect.scatter.add.f32 [tilespmem:s18], [sflag:$0x3], $0x80, s31, s16, $0xb8;
	[tilespmem:$0x1C800] =	vst v63  }
0xeb: {  	_ =	swait.ge [sflag:s14], $0x4000  }
0xec: {  	[sflag:s14] =	ssyncset.done $0x0  }
0xed: {  	[sflag:s14] =	ssyncadd.s32 $0xFFFFC000  }
0xee: {  	[tilespmem:s18], [sflag:$0x2] =	stream.indirect.gather [hbm4b:s4+s16], $0x80, s0, s16, $0xb8;
	[tilespmem:$0x1C800] =	vst v63  }
0xef: {  	_ =	swait.ge [sflag:s19], $0x4000  }
0xf0: {  	[sflag:s19] =	ssyncset.done $0x0  }
0xf1: {  	[sflag:s19] =	ssyncadd.s32 $0xFFFFC000  }
0xf2: {  	[spmem:s2] =	stream.indirect.scatter.add.f32 [tilespmem:s17], [sflag:$0x3], $0x80, s1, s16, $0xb8;
	[tilespmem:$0x1C800] =	vst v63  }
0xf3: {  	_ =	swait.ge [sflag:s14], $0x4000  }
0xf4: {  	[sflag:s14] =	ssyncset.done $0x0  }
0xf5: {  	[sflag:s14] =	ssyncadd.s32 $0xFFFFC000  }
0xf6: {  	_ =	swait.ge [sflag:s21], $0x4000  }
0xf7: {  	[sflag:s21] =	ssyncset.done $0x0  }
0xf8: {  	[sflag:s21] =	ssyncadd.s32 $0xFFFFC000  }
0xf9: {  	[spmem:s2] =	stream.indirect.scatter.add.f32 [tilespmem:s18], [sflag:$0x3], $0x80, s7, s16, $0xb8;
	[tilespmem:$0x1C800] =	vst v63  }
0xfa: {  	_ =	swait.ge [sflag:s14], $0x4000  }
0xfb: {  	[sflag:s14] =	ssyncset.done $0x0  }
0xfc: {  	[sflag:s14] =	ssyncadd.s32 $0xFFFFC000  }
0xfd: {  	[bflag:$0x0] =	sbarrier.arrive $0xFFFF  }
0xfe: {  	s6 =	rddreg [dreg:$0x5]  }
0xff: {  	s9 =	rddreg [dreg:$0x6]  }
0x100: {  	s8 =	rddreg [dreg:$0x9]  }
0x101: {  	[hbm:s9], [sflag:s6] =	dma.local [spmem:s8], $0x2800  }
0x102: {  	_ =	swait.ge [sflag:s14], $0x2800  }
0x103: {  	[sflag:s14] =	ssyncset.done $0x0  }
0x104: {  	[sflag:s14] =	ssyncadd.s32 $0xFFFFD800  }
0x105: {  	[bflag:$0x0] =	sbarrier.arrive $0xFFFF  }
0x106: {  	s13 =	rddreg [dreg:$0x4]  }
0x107: {  	[spmem:s8], [sflag:s6] =	dma.local [hbm:s13], $0x2800  }
0x108: {  	_ =	swait.ge [sflag:s14], $0x2800  }
0x109: {  	[sflag:s14] =	ssyncset.done $0x0  }
0x10a: {  	[sflag:s14] =	ssyncadd.s32 $0xFFFFD800  }
0x10b: {  	s9 =	sadd.s32 $0x0, s12;
	[bflag:$0x0] =	sbarrier.arrive $0xFFFF  }
0x10c: {  	[tilespmem:s3], [sflag:$0x3] =	stream.linear.gather [hbm4b:s9+s3], $0x400, $0x38;
	[tilespmem:$0x1C800] =	vst v63  }
0x10d: {  	_ =	swait.ge [sflag:s14], $0x400  }
0x10e: {  	[sflag:s14] =	ssyncset.done $0x0  }
0x10f: {  	s13 =	sadd.s32 $0x0, s11;
	[sflag:s14] =	ssyncadd.s32 $0xFFFFFC00  }
0x110: {  	[tilespmem:s15], [sflag:$0x3] =	stream.linear.gather [hbm4b:s13+s3], $0x400, $0x38;
	[tilespmem:$0x1C800] =	vst v63  }
0x111: {  	_ =	swait.ge [sflag:s14], $0x400  }
0x112: {  	[sflag:s14] =	ssyncset.done $0x0  }
0x113: {  	[sflag:s14] =	ssyncadd.s32 $0xFFFFFC00  }
0x114: {  	[tilespmem:s17], [sflag:$0x1] =	stream.indirect.gather [hbm4b:s4+s16], $0x80, s3, s16, $0xb8;
	[tilespmem:$0x1C800] =	vst v63  }
0x115: {  	_ = 	snop  }
0x116: {  	[tilespmem:s18], [sflag:$0x2] =	stream.indirect.gather [hbm4b:s4+s16], $0x80, s16, s16, $0xb8;
	[tilespmem:$0x1C800] =	vst v63  }
0x117: {  	_ =	swait.ge [sflag:s19], $0x4000  }
0x118: {  	[sflag:s19] =	ssyncset.done $0x0  }
0x119: {  	[sflag:s19] =	ssyncadd.s32 $0xFFFFC000  }
0x11a: {  	[spmem:s2] =	stream.indirect.scatter.add.f32 [tilespmem:s17], [sflag:$0x3], $0x80, s15, s16, $0xb8;
	[tilespmem:$0x1C800] =	vst v63  }
0x11b: {  	_ =	swait.ge [sflag:s14], $0x4000  }
0x11c: {  	[sflag:s14] =	ssyncset.done $0x0  }
0x11d: {  	[sflag:s14] =	ssyncadd.s32 $0xFFFFC000  }
0x11e: {  	[tilespmem:s17], [sflag:$0x1] =	stream.indirect.gather [hbm4b:s4+s16], $0x80, s20, s16, $0xb8;
	[tilespmem:$0x1C800] =	vst v63  }
0x11f: {  	_ =	swait.ge [sflag:s21], $0x4000  }
0x120: {  	[sflag:s21] =	ssyncset.done $0x0  }
0x121: {  	[sflag:s21] =	ssyncadd.s32 $0xFFFFC000  }
0x122: {  	[spmem:s2] =	stream.indirect.scatter.add.f32 [tilespmem:s18], [sflag:$0x3], $0x80, s22, s16, $0xb8;
	[tilespmem:$0x1C800] =	vst v63  }
0x123: {  	_ =	swait.ge [sflag:s14], $0x4000  }
0x124: {  	[sflag:s14] =	ssyncset.done $0x0  }
0x125: {  	[sflag:s14] =	ssyncadd.s32 $0xFFFFC000  }
0x126: {  	[tilespmem:s18], [sflag:$0x2] =	stream.indirect.gather [hbm4b:s4+s16], $0x80, s23, s16, $0xb8;
	[tilespmem:$0x1C800] =	vst v63  }
0x127: {  	_ =	swait.ge [sflag:s19], $0x4000  }
0x128: {  	[sflag:s19] =	ssyncset.done $0x0  }
0x129: {  	[sflag:s19] =	ssyncadd.s32 $0xFFFFC000  }
0x12a: {  	[spmem:s2] =	stream.indirect.scatter.add.f32 [tilespmem:s17], [sflag:$0x3], $0x80, s24, s16, $0xb8;
	[tilespmem:$0x1C800] =	vst v63  }
0x12b: {  	_ =	swait.ge [sflag:s14], $0x4000  }
0x12c: {  	[sflag:s14] =	ssyncset.done $0x0  }
0x12d: {  	[sflag:s14] =	ssyncadd.s32 $0xFFFFC000  }
0x12e: {  	[tilespmem:s17], [sflag:$0x1] =	stream.indirect.gather [hbm4b:s4+s16], $0x80, s25, s16, $0xb8;
	[tilespmem:$0x1C800] =	vst v63  }
0x12f: {  	_ =	swait.ge [sflag:s21], $0x4000  }
0x130: {  	[sflag:s21] =	ssyncset.done $0x0  }
0x131: {  	[sflag:s21] =	ssyncadd.s32 $0xFFFFC000  }
0x132: {  	[spmem:s2] =	stream.indirect.scatter.add.f32 [tilespmem:s18], [sflag:$0x3], $0x80, s26, s16, $0xb8;
	[tilespmem:$0x1C800] =	vst v63  }
0x133: {  	_ =	swait.ge [sflag:s14], $0x4000  }
0x134: {  	[sflag:s14] =	ssyncset.done $0x0  }
0x135: {  	[sflag:s14] =	ssyncadd.s32 $0xFFFFC000  }
0x136: {  	[tilespmem:s18], [sflag:$0x2] =	stream.indirect.gather [hbm4b:s4+s16], $0x80, s28, s16, $0xb8;
	[tilespmem:$0x1C800] =	vst v63  }
0x137: {  	_ =	swait.ge [sflag:s19], $0x4000  }
0x138: {  	[sflag:s19] =	ssyncset.done $0x0  }
0x139: {  	[sflag:s19] =	ssyncadd.s32 $0xFFFFC000  }
0x13a: {  	[spmem:s2] =	stream.indirect.scatter.add.f32 [tilespmem:s17], [sflag:$0x3], $0x80, s29, s16, $0xb8;
	[tilespmem:$0x1C800] =	vst v63  }
0x13b: {  	_ =	swait.ge [sflag:s14], $0x4000  }
0x13c: {  	[sflag:s14] =	ssyncset.done $0x0  }
0x13d: {  	[sflag:s14] =	ssyncadd.s32 $0xFFFFC000  }
0x13e: {  	[tilespmem:s17], [sflag:$0x1] =	stream.indirect.gather [hbm4b:s4+s16], $0x80, s30, s16, $0xb8;
	[tilespmem:$0x1C800] =	vst v63  }
0x13f: {  	_ =	swait.ge [sflag:s21], $0x4000  }
0x140: {  	[sflag:s21] =	ssyncset.done $0x0  }
0x141: {  	[sflag:s21] =	ssyncadd.s32 $0xFFFFC000  }
0x142: {  	[spmem:s2] =	stream.indirect.scatter.add.f32 [tilespmem:s18], [sflag:$0x3], $0x80, s31, s16, $0xb8;
	[tilespmem:$0x1C800] =	vst v63  }
0x143: {  	_ =	swait.ge [sflag:s14], $0x4000  }
0x144: {  	[sflag:s14] =	ssyncset.done $0x0  }
0x145: {  	[sflag:s14] =	ssyncadd.s32 $0xFFFFC000  }
0x146: {  	[tilespmem:s18], [sflag:$0x2] =	stream.indirect.gather [hbm4b:s4+s16], $0x80, s0, s16, $0xb8;
	[tilespmem:$0x1C800] =	vst v63  }
0x147: {  	_ =	swait.ge [sflag:s19], $0x4000  }
0x148: {  	[sflag:s19] =	ssyncset.done $0x0  }
0x149: {  	[sflag:s19] =	ssyncadd.s32 $0xFFFFC000  }
0x14a: {  	[spmem:s2] =	stream.indirect.scatter.add.f32 [tilespmem:s17], [sflag:$0x3], $0x80, s1, s16, $0xb8;
	[tilespmem:$0x1C800] =	vst v63  }
0x14b: {  	_ =	swait.ge [sflag:s14], $0x4000  }
0x14c: {  	[sflag:s14] =	ssyncset.done $0x0  }
0x14d: {  	[sflag:s14] =	ssyncadd.s32 $0xFFFFC000  }
0x14e: {  	_ =	swait.ge [sflag:s21], $0x4000  }
0x14f: {  	[sflag:s21] =	ssyncset.done $0x0  }
0x150: {  	[sflag:s21] =	ssyncadd.s32 $0xFFFFC000  }
0x151: {  	[spmem:s2] =	stream.indirect.scatter.add.f32 [tilespmem:s18], [sflag:$0x3], $0x80, s7, s16, $0xb8;
	[tilespmem:$0x1C800] =	vst v63  }
0x152: {  	_ =	swait.ge [sflag:s14], $0x4000  }
0x153: {  	s6 =	simm.s32 $0x100;
	s9 =	simm.s32 $0x80;
	[sflag:s14] =	ssyncset.done $0x0  }
.LBB2_4:
0x154: {  	s8 =	sadd.s32 s9, s12  }
0x155: {  	[sflag:s14] =	ssyncadd.s32 $0xFFFFC000;
	s13 =	smov.u32 s6;
	s5 =	sadd.s32 $0x80, s6  }
0x156: {  	[tilespmem:s3], [sflag:$0x3] =	stream.linear.gather [hbm4b:s8+s3], $0x400, $0x38;
	[tilespmem:$0x1C800] =	vst v63  }
0x157: {  	p0 =	sne.s32 s6, $0x480;
	_ =	swait.ge [sflag:s14], $0x400  }
0x158: {  	[sflag:s14] =	ssyncset.done $0x0  }
0x159: {  	s6 =	sadd.s32 s9, s11;
	s9 =	smov.u32 s13;
	[sflag:s14] =	ssyncadd.s32 $0xFFFFFC00  }
0x15a: {  	[tilespmem:s15], [sflag:$0x3] =	stream.linear.gather [hbm4b:s6+s3], $0x400, $0x38;
	[tilespmem:$0x1C800] =	vst v63  }
0x15b: {  	_ =	swait.ge [sflag:s14], $0x400  }
0x15c: {  	[sflag:s14] =	ssyncset.done $0x0  }
0x15d: {  	[sflag:s14] =	ssyncadd.s32 $0xFFFFFC00  }
0x15e: {  	[tilespmem:s17], [sflag:$0x1] =	stream.indirect.gather [hbm4b:s4+s16], $0x80, s3, s16, $0xb8;
	[tilespmem:$0x1C800] =	vst v63  }
0x15f: {  	_ = 	snop  }
0x160: {  	[tilespmem:s18], [sflag:$0x2] =	stream.indirect.gather [hbm4b:s4+s16], $0x80, s16, s16, $0xb8;
	[tilespmem:$0x1C800] =	vst v63  }
0x161: {  	_ =	swait.ge [sflag:s19], $0x4000  }
0x162: {  	[sflag:s19] =	ssyncset.done $0x0  }
0x163: {  	[sflag:s19] =	ssyncadd.s32 $0xFFFFC000  }
0x164: {  	[spmem:s2] =	stream.indirect.scatter.add.f32 [tilespmem:s17], [sflag:$0x3], $0x80, s15, s16, $0xb8;
	[tilespmem:$0x1C800] =	vst v63  }
0x165: {  	_ =	swait.ge [sflag:s14], $0x4000  }
0x166: {  	[sflag:s14] =	ssyncset.done $0x0  }
0x167: {  	[sflag:s14] =	ssyncadd.s32 $0xFFFFC000  }
0x168: {  	[tilespmem:s17], [sflag:$0x1] =	stream.indirect.gather [hbm4b:s4+s16], $0x80, s20, s16, $0xb8;
	[tilespmem:$0x1C800] =	vst v63  }
0x169: {  	_ =	swait.ge [sflag:s21], $0x4000  }
0x16a: {  	[sflag:s21] =	ssyncset.done $0x0  }
0x16b: {  	[sflag:s21] =	ssyncadd.s32 $0xFFFFC000  }
0x16c: {  	[spmem:s2] =	stream.indirect.scatter.add.f32 [tilespmem:s18], [sflag:$0x3], $0x80, s22, s16, $0xb8;
	[tilespmem:$0x1C800] =	vst v63  }
0x16d: {  	_ =	swait.ge [sflag:s14], $0x4000  }
0x16e: {  	[sflag:s14] =	ssyncset.done $0x0  }
0x16f: {  	[sflag:s14] =	ssyncadd.s32 $0xFFFFC000  }
0x170: {  	[tilespmem:s18], [sflag:$0x2] =	stream.indirect.gather [hbm4b:s4+s16], $0x80, s23, s16, $0xb8;
	[tilespmem:$0x1C800] =	vst v63  }
0x171: {  	_ =	swait.ge [sflag:s19], $0x4000  }
0x172: {  	[sflag:s19] =	ssyncset.done $0x0  }
0x173: {  	[sflag:s19] =	ssyncadd.s32 $0xFFFFC000  }
0x174: {  	[spmem:s2] =	stream.indirect.scatter.add.f32 [tilespmem:s17], [sflag:$0x3], $0x80, s24, s16, $0xb8;
	[tilespmem:$0x1C800] =	vst v63  }
0x175: {  	_ =	swait.ge [sflag:s14], $0x4000  }
0x176: {  	[sflag:s14] =	ssyncset.done $0x0  }
0x177: {  	[sflag:s14] =	ssyncadd.s32 $0xFFFFC000  }
0x178: {  	[tilespmem:s17], [sflag:$0x1] =	stream.indirect.gather [hbm4b:s4+s16], $0x80, s25, s16, $0xb8;
	[tilespmem:$0x1C800] =	vst v63  }
0x179: {  	_ =	swait.ge [sflag:s21], $0x4000  }
0x17a: {  	[sflag:s21] =	ssyncset.done $0x0  }
0x17b: {  	[sflag:s21] =	ssyncadd.s32 $0xFFFFC000  }
0x17c: {  	[spmem:s2] =	stream.indirect.scatter.add.f32 [tilespmem:s18], [sflag:$0x3], $0x80, s26, s16, $0xb8;
	[tilespmem:$0x1C800] =	vst v63  }
0x17d: {  	_ =	swait.ge [sflag:s14], $0x4000  }
0x17e: {  	[sflag:s14] =	ssyncset.done $0x0  }
0x17f: {  	[sflag:s14] =	ssyncadd.s32 $0xFFFFC000  }
0x180: {  	[tilespmem:s18], [sflag:$0x2] =	stream.indirect.gather [hbm4b:s4+s16], $0x80, s28, s16, $0xb8;
	[tilespmem:$0x1C800] =	vst v63  }
0x181: {  	_ =	swait.ge [sflag:s19], $0x4000  }
0x182: {  	[sflag:s19] =	ssyncset.done $0x0  }
0x183: {  	[sflag:s19] =	ssyncadd.s32 $0xFFFFC000  }
0x184: {  	[spmem:s2] =	stream.indirect.scatter.add.f32 [tilespmem:s17], [sflag:$0x3], $0x80, s29, s16, $0xb8;
	[tilespmem:$0x1C800] =	vst v63  }
0x185: {  	_ =	swait.ge [sflag:s14], $0x4000  }
0x186: {  	[sflag:s14] =	ssyncset.done $0x0  }
0x187: {  	[sflag:s14] =	ssyncadd.s32 $0xFFFFC000  }
0x188: {  	[tilespmem:s17], [sflag:$0x1] =	stream.indirect.gather [hbm4b:s4+s16], $0x80, s30, s16, $0xb8;
	[tilespmem:$0x1C800] =	vst v63  }
0x189: {  	_ =	swait.ge [sflag:s21], $0x4000  }
0x18a: {  	[sflag:s21] =	ssyncset.done $0x0  }
0x18b: {  	[sflag:s21] =	ssyncadd.s32 $0xFFFFC000  }
0x18c: {  	[spmem:s2] =	stream.indirect.scatter.add.f32 [tilespmem:s18], [sflag:$0x3], $0x80, s31, s16, $0xb8;
	[tilespmem:$0x1C800] =	vst v63  }
0x18d: {  	_ =	swait.ge [sflag:s14], $0x4000  }
0x18e: {  	[sflag:s14] =	ssyncset.done $0x0  }
0x18f: {  	[sflag:s14] =	ssyncadd.s32 $0xFFFFC000  }
0x190: {  	[tilespmem:s18], [sflag:$0x2] =	stream.indirect.gather [hbm4b:s4+s16], $0x80, s0, s16, $0xb8;
	[tilespmem:$0x1C800] =	vst v63  }
0x191: {  	_ =	swait.ge [sflag:s19], $0x4000  }
0x192: {  	[sflag:s19] =	ssyncset.done $0x0  }
0x193: {  	[sflag:s19] =	ssyncadd.s32 $0xFFFFC000  }
0x194: {  	[spmem:s2] =	stream.indirect.scatter.add.f32 [tilespmem:s17], [sflag:$0x3], $0x80, s1, s16, $0xb8;
	[tilespmem:$0x1C800] =	vst v63  }
0x195: {  	_ =	swait.ge [sflag:s14], $0x4000  }
0x196: {  	[sflag:s14] =	ssyncset.done $0x0  }
0x197: {  	[sflag:s14] =	ssyncadd.s32 $0xFFFFC000  }
0x198: {  	_ =	swait.ge [sflag:s21], $0x4000  }
.Ltmp1:
0x199: {  	[sflag:s21] =	ssyncset.done $0x0;
	(pc) =	sbr.rel @p0 .LBB2_4-.Ltmp1, $4  }
0x19a: {  	[sflag:s21] =	ssyncadd.s32 $0xFFFFC000  }
0x19b: {  	[spmem:s2] =	stream.indirect.scatter.add.f32 [tilespmem:s18], [sflag:$0x3], $0x80, s7, s16, $0xb8;
	[tilespmem:$0x1C800] =	vst v63  }
0x19c: {  	_ =	swait.ge [sflag:s14], $0x4000  }
0x19d: {  	s6 =	smov.u32 s5;
	[sflag:s14] =	ssyncset.done $0x0  }
0x19e: {  	s5 =	sadd.s32 s9, s12;
	[sflag:s14] =	ssyncadd.s32 $0xFFFFC000  }
0x19f: {  	[tilespmem:s3], [sflag:$0x3] =	stream.linear.gather [hbm4b:s5+s3], $0x400, $0x38;
	[tilespmem:$0x1C800] =	vst v63  }
0x1a0: {  	_ =	swait.ge [sflag:s14], $0x400  }
0x1a1: {  	[sflag:s14] =	ssyncset.done $0x0  }
0x1a2: {  	s9 =	sadd.s32 s9, s11;
	[sflag:s14] =	ssyncadd.s32 $0xFFFFFC00  }
0x1a3: {  	[tilespmem:s15], [sflag:$0x3] =	stream.linear.gather [hbm4b:s9+s3], $0x400, $0x38;
	[tilespmem:$0x1C800] =	vst v63  }
0x1a4: {  	_ =	swait.ge [sflag:s14], $0x400  }
0x1a5: {  	[sflag:s14] =	ssyncset.done $0x0  }
0x1a6: {  	[sflag:s14] =	ssyncadd.s32 $0xFFFFFC00  }
0x1a7: {  	[tilespmem:s17], [sflag:$0x1] =	stream.indirect.gather [hbm4b:s4+s16], $0x80, s3, s16, $0xb8;
	[tilespmem:$0x1C800] =	vst v63  }
0x1a8: {  	_ = 	snop  }
0x1a9: {  	[tilespmem:s18], [sflag:$0x2] =	stream.indirect.gather [hbm4b:s4+s16], $0x80, s16, s16, $0xb8;
	[tilespmem:$0x1C800] =	vst v63  }
0x1aa: {  	_ =	swait.ge [sflag:s19], $0x4000  }
0x1ab: {  	[sflag:s19] =	ssyncset.done $0x0  }
0x1ac: {  	[sflag:s19] =	ssyncadd.s32 $0xFFFFC000  }
0x1ad: {  	[spmem:s2] =	stream.indirect.scatter.add.f32 [tilespmem:s17], [sflag:$0x3], $0x80, s15, s16, $0xb8;
	[tilespmem:$0x1C800] =	vst v63  }
0x1ae: {  	_ =	swait.ge [sflag:s14], $0x4000  }
0x1af: {  	[sflag:s14] =	ssyncset.done $0x0  }
0x1b0: {  	[sflag:s14] =	ssyncadd.s32 $0xFFFFC000  }
0x1b1: {  	[tilespmem:s17], [sflag:$0x1] =	stream.indirect.gather [hbm4b:s4+s16], $0x80, s20, s16, $0xb8;
	[tilespmem:$0x1C800] =	vst v63  }
0x1b2: {  	_ =	swait.ge [sflag:s21], $0x4000  }
0x1b3: {  	[sflag:s21] =	ssyncset.done $0x0  }
0x1b4: {  	[sflag:s21] =	ssyncadd.s32 $0xFFFFC000  }
0x1b5: {  	[spmem:s2] =	stream.indirect.scatter.add.f32 [tilespmem:s18], [sflag:$0x3], $0x80, s22, s16, $0xb8;
	[tilespmem:$0x1C800] =	vst v63  }
0x1b6: {  	_ =	swait.ge [sflag:s14], $0x4000  }
0x1b7: {  	[sflag:s14] =	ssyncset.done $0x0  }
0x1b8: {  	[sflag:s14] =	ssyncadd.s32 $0xFFFFC000  }
0x1b9: {  	[tilespmem:s18], [sflag:$0x2] =	stream.indirect.gather [hbm4b:s4+s16], $0x80, s23, s16, $0xb8;
	[tilespmem:$0x1C800] =	vst v63  }
0x1ba: {  	_ =	swait.ge [sflag:s19], $0x4000  }
0x1bb: {  	[sflag:s19] =	ssyncset.done $0x0  }
0x1bc: {  	[sflag:s19] =	ssyncadd.s32 $0xFFFFC000  }
0x1bd: {  	[spmem:s2] =	stream.indirect.scatter.add.f32 [tilespmem:s17], [sflag:$0x3], $0x80, s24, s16, $0xb8;
	[tilespmem:$0x1C800] =	vst v63  }
0x1be: {  	_ =	swait.ge [sflag:s14], $0x4000  }
0x1bf: {  	[sflag:s14] =	ssyncset.done $0x0  }
0x1c0: {  	[sflag:s14] =	ssyncadd.s32 $0xFFFFC000  }
0x1c1: {  	[tilespmem:s17], [sflag:$0x1] =	stream.indirect.gather [hbm4b:s4+s16], $0x80, s25, s16, $0xb8;
	[tilespmem:$0x1C800] =	vst v63  }
0x1c2: {  	_ =	swait.ge [sflag:s21], $0x4000  }
0x1c3: {  	[sflag:s21] =	ssyncset.done $0x0  }
0x1c4: {  	[sflag:s21] =	ssyncadd.s32 $0xFFFFC000  }
0x1c5: {  	[spmem:s2] =	stream.indirect.scatter.add.f32 [tilespmem:s18], [sflag:$0x3], $0x80, s26, s16, $0xb8;
	[tilespmem:$0x1C800] =	vst v63  }
0x1c6: {  	_ =	swait.ge [sflag:s14], $0x4000  }
0x1c7: {  	[sflag:s14] =	ssyncset.done $0x0  }
0x1c8: {  	[sflag:s14] =	ssyncadd.s32 $0xFFFFC000  }
0x1c9: {  	[tilespmem:s18], [sflag:$0x2] =	stream.indirect.gather [hbm4b:s4+s16], $0x80, s28, s16, $0xb8;
	[tilespmem:$0x1C800] =	vst v63  }
0x1ca: {  	_ =	swait.ge [sflag:s19], $0x4000  }
0x1cb: {  	[sflag:s19] =	ssyncset.done $0x0  }
0x1cc: {  	[sflag:s19] =	ssyncadd.s32 $0xFFFFC000  }
0x1cd: {  	[spmem:s2] =	stream.indirect.scatter.add.f32 [tilespmem:s17], [sflag:$0x3], $0x80, s29, s16, $0xb8;
	[tilespmem:$0x1C800] =	vst v63  }
0x1ce: {  	_ =	swait.ge [sflag:s14], $0x4000  }
0x1cf: {  	[sflag:s14] =	ssyncset.done $0x0  }
0x1d0: {  	[sflag:s14] =	ssyncadd.s32 $0xFFFFC000  }
0x1d1: {  	[tilespmem:s17], [sflag:$0x1] =	stream.indirect.gather [hbm4b:s4+s16], $0x80, s30, s16, $0xb8;
	[tilespmem:$0x1C800] =	vst v63  }
0x1d2: {  	_ =	swait.ge [sflag:s21], $0x4000  }
0x1d3: {  	[sflag:s21] =	ssyncset.done $0x0  }
0x1d4: {  	[sflag:s21] =	ssyncadd.s32 $0xFFFFC000  }
0x1d5: {  	[spmem:s2] =	stream.indirect.scatter.add.f32 [tilespmem:s18], [sflag:$0x3], $0x80, s31, s16, $0xb8;
	[tilespmem:$0x1C800] =	vst v63  }
0x1d6: {  	_ =	swait.ge [sflag:s14], $0x4000  }
0x1d7: {  	[sflag:s14] =	ssyncset.done $0x0  }
0x1d8: {  	[sflag:s14] =	ssyncadd.s32 $0xFFFFC000  }
0x1d9: {  	[tilespmem:s18], [sflag:$0x2] =	stream.indirect.gather [hbm4b:s4+s16], $0x80, s0, s16, $0xb8;
	[tilespmem:$0x1C800] =	vst v63  }
0x1da: {  	_ =	swait.ge [sflag:s19], $0x4000  }
0x1db: {  	[sflag:s19] =	ssyncset.done $0x0  }
0x1dc: {  	[sflag:s19] =	ssyncadd.s32 $0xFFFFC000  }
0x1dd: {  	[spmem:s2] =	stream.indirect.scatter.add.f32 [tilespmem:s17], [sflag:$0x3], $0x80, s1, s16, $0xb8;
	[tilespmem:$0x1C800] =	vst v63  }
0x1de: {  	_ =	swait.ge [sflag:s14], $0x4000  }
0x1df: {  	[sflag:s14] =	ssyncset.done $0x0  }
0x1e0: {  	[sflag:s14] =	ssyncadd.s32 $0xFFFFC000  }
0x1e1: {  	_ =	swait.ge [sflag:s21], $0x4000  }
0x1e2: {  	[sflag:s21] =	ssyncset.done $0x0  }
0x1e3: {  	[sflag:s21] =	ssyncadd.s32 $0xFFFFC000  }
0x1e4: {  	[spmem:s2] =	stream.indirect.scatter.add.f32 [tilespmem:s18], [sflag:$0x3], $0x80, s7, s16, $0xb8;
	[tilespmem:$0x1C800] =	vst v63  }
0x1e5: {  	_ =	swait.ge [sflag:s14], $0x4000  }
0x1e6: {  	[sflag:s14] =	ssyncset.done $0x0  }
0x1e7: {  	[sflag:s14] =	ssyncadd.s32 $0xFFFFC000  }
0x1e8: {  	[bflag:$0x0] =	sbarrier.arrive $0xFFFF  }
0x1e9: {  	s6 =	rddreg [dreg:$0x5]  }
0x1ea: {  	s13 =	rddreg [dreg:$0x7]  }
0x1eb: {  	s8 =	rddreg [dreg:$0x9]  }
0x1ec: {  	[hbm:s13], [sflag:s6] =	dma.local [spmem:s8], $0x2800  }
0x1ed: {  	_ =	swait.ge [sflag:s14], $0x2800  }
0x1ee: {  	s5 =	rddreg [dreg:$0xa]  }
0x1ef: {  	s13 =	rddreg [dreg:$0x8];
	s9 =	sadd.s32 $0x1, s5  }
0x1f0: {  	p0 =	sne.s32 s9, s13  }
.Ltmp2:
0x1f1: {  	_ = 	snop;
	(pc) =	sbr.rel @p0 .LBB2_1-.Ltmp2, $3  }
0x1f2: {  	[sflag:s14] =	ssyncset.done $0x0  }
0x1f3: {  	[sflag:s14] =	ssyncadd.s32 $0xFFFFD800  }
0x1f4: {  	[bflag:$0x0] =	sbarrier.arrive $0xFFFF;
	_ =	sdelay $0x1  }
0x1f5: {  	_ =	sfence.sel $0x180000  }
0x1f6: {  	[bflag:$0x0] =	sbarrier.arrive $0xFFFF  }
0x1f7: {  	_ =	strace $0x90000047  }
0x1f8: {  	s0 =	stileid.u32;
	[bflag:$0x2] =	sbarrier.arrive $0xFFFF  }
0x1f9: {  	p0 =	sne.s32 s0, $0x0;
	s0 =	rddreg [dreg:$0x3]  }
0x1fa: {  	s0 =	sadd.s32 @!p0 $0x100000, s0  }
0x1fb: {  	[sflag:s0] =	ssyncadd.tile.s32 @!p0 $0x1;
	_ =	shalt  }
.Lfunc_end2:
_tile_overlayer_lowered:
.L_overlay_start_2:
0x1fc: {  	(tag) =	ssettag $0x2  }
0x1fd: {  	s0 =	rddreg [dreg:$0x0];
	s2 =	stileid.u32  }
0x1fe: {  	s1 =	rddreg [dreg:$0x1];
	p0 =	sne.s32 s2, $0x0  }
0x1ff: {  	s3 =	rddreg [dreg:$0x2];
	[bflag:$0x3] =	sbarrier.arrive $0xFFFF;
	s2 =	simm.s32 @!p0 $0x1C03  }
0x200: {  	[timem:s3], [sflag:s2] =	dma.local @!p0 [hbm:s0], s1  }
0x201: {  	s0 =	simm.s32 @!p0 $0x3  }
0x202: {  	_ =	swait.ge @!p0 [sflag:s0], s1  }
0x203: {  	s1 =	ssub.s32 @!p0 $0x0, s1;
	[sflag:s0] =	ssyncset.done @!p0 $0x0  }
0x204: {  	[sflag:s0] =	ssyncadd.s32 @!p0 s1  }
0x205: {  	[bflag:$0x3] =	sbarrier.arrive $0xFFFF  }
0x206: {  	_ =	shalt  }

</sc_bundles>
